<compile_context>
chip_gen: v7x
topology: tpu7x:2x2x1
jax: 0.10.2.dev20260603
libtpu: 0.0.44.dev20260713+nightly
codegen_flags: <defaults>
</compile_context>

<pallas_src>
import jax
import jax.numpy as jnp
from jax import lax
from jax.experimental import pallas as pl
from jax.experimental.pallas import tpu as pltpu
from jax.experimental.pallas import tpu_sc as plsc

NC = 2
NS = 16
NW = NC * NS

B, T, D = 1024, 200, 128
N = B * T
NPW = N // NW
C = 128
NCHUNK = NPW // C
NB = 7
ROUNDS = -(-NCHUNK // NB)


def _body(W_hbm, idx_hbm, out_hbm, idx_v, buf_v, table_sp, *sems):
    gsem = sems[:NB]
    wsem = sems[NB:]
    sid = lax.axis_index("s")
    wid = sid * NC + lax.axis_index("c")
    base = wid * NPW

    @pl.when(sid == 0)
    def _stage_table():
        pltpu.sync_copy(W_hbm, table_sp)

    pltpu.sync_copy(idx_hbm.at[wid], idx_v)
    plsc.subcore_barrier()

    def outer(r, carry):
        for b in range(NB):
            g = r * NB + b

            @pl.when(jnp.logical_and(g >= NB, g < NCHUNK))
            def _wait_prev_write(b=b):
                pltpu.make_async_copy(
                    buf_v.at[b], out_hbm.at[pl.ds(0, C), :], wsem[b]
                ).wait()

            src_ref = W_hbm if b >= 5 else table_sp

            @pl.when(g < NCHUNK)
            def _start_gather(b=b, g=g, src_ref=src_ref):
                pltpu.make_async_copy(
                    src_ref.at[idx_v.at[g]], buf_v.at[b], gsem[b]
                ).start()

        for b in range(NB):
            g = r * NB + b

            src_ref = W_hbm if b >= 5 else table_sp

            @pl.when(g < NCHUNK)
            def _drain_gather_start_write(b=b, g=g, src_ref=src_ref):
                pltpu.make_async_copy(
                    src_ref.at[idx_v.at[g]], buf_v.at[b], gsem[b]
                ).wait()
                pltpu.make_async_copy(
                    buf_v.at[b], out_hbm.at[pl.ds(base + g * C, C), :], wsem[b]
                ).start()

        return carry

    lax.fori_loop(0, ROUNDS, outer, 0)
    for b in range(NB):
        pltpu.make_async_copy(
            buf_v.at[b], out_hbm.at[pl.ds(0, C), :], wsem[b]
        ).wait()


@jax.jit
def _gather(W, idx3):
    mesh = plsc.VectorSubcoreMesh(core_axis_name="c", subcore_axis_name="s")
    f = pl.kernel(
        _body,
        mesh=mesh,
        out_type=jax.ShapeDtypeStruct((N, D), jnp.float32),
        scratch_types=[
            pltpu.VMEM((NCHUNK, C), jnp.int32),
            pltpu.VMEM((NB, C, D), jnp.float32),
            pltpu.VMEM_SHARED((1002, D), jnp.float32),
        ]
        + [pltpu.SemaphoreType.DMA] * (2 * NB),
    )
    return f(W, idx3)


def kernel(W, indices):
    idx3 = indices.reshape(NW, NCHUNK, C)
    out = _gather(W, idx3)
    return out.reshape(B, T, D)

# --- scband reference (transcript-rebuilt; emitter-appended) ---
"""Pipeline reference for scband-base-model-4045859192959 (READ-ONLY COPY).

The authoritative reference and input builder live on the scoring server;
editing this copy changes nothing except your own understanding.
"""

import jax, jax.numpy as jnp
import numpy as np


def setup_inputs(seed: int = 0):
    key = jax.random.key(seed)
    k1, k2 = jax.random.split(key)
    # token indices: batch=1024, hist_len=200; table has vocab_size+2 = 1002 rows (padding_idx=0)
    # fill_max=900 keeps indices comfortably in-range of the 1002-row table
    indices = jax.random.randint(k1, (1024, 200), 0, 900, dtype=jnp.int32)
    # learned embedding table per nn.Embedding(vocab_size + 2, embed_size=128, padding_idx=0)
    W = jax.random.normal(k2, (1002, 128), dtype=jnp.float32)
    W = W.at[0].set(0.0)  # padding_idx row is zero
    return {"W": W, "indices": indices}


def reference(W, indices):
    # BaseModel.get_embedding with embedding='default' reduces to: return self.embed(input)
    # i.e., a plain embedding gather.
    return jnp.take(W, indices, axis=0)

if __name__ == "__main__":
    import jax
    _d = setup_inputs()
    print(jax.jit(kernel)(*tuple(_d.values())))

</pallas_src>

<mosaic_0001>
#map = affine_map<(d0, d1) -> (0, 0)>
#map1 = affine_map<(d0, d1) -> (0, 0, 0)>
module attributes {stable_mosaic.version = 14 : i64} {
  func.func @_body(%arg0: i32, %arg1: i32, %arg2: memref<1002x128xf32, #tpu.memory_space<hbm>>, %arg3: memref<32x50x128xi32, #tpu.memory_space<hbm>>, %arg4: memref<204800x128xf32, #tpu.memory_space<hbm>>, %arg5: memref<50x128xi32, #tpu.memory_space<vmem>>, %arg6: memref<7x128x128xf32, #tpu.memory_space<vmem>>, %arg7: memref<1002x128xf32, #tpu.memory_space<vmem_shared>>, %arg8: memref<!tpu.dma_semaphore, #tpu.memory_space<semaphore_mem>>, %arg9: memref<!tpu.dma_semaphore, #tpu.memory_space<semaphore_mem>>, %arg10: memref<!tpu.dma_semaphore, #tpu.memory_space<semaphore_mem>>, %arg11: memref<!tpu.dma_semaphore, #tpu.memory_space<semaphore_mem>>, %arg12: memref<!tpu.dma_semaphore, #tpu.memory_space<semaphore_mem>>, %arg13: memref<!tpu.dma_semaphore, #tpu.memory_space<semaphore_mem>>, %arg14: memref<!tpu.dma_semaphore, #tpu.memory_space<semaphore_mem>>, %arg15: memref<!tpu.dma_semaphore, #tpu.memory_space<semaphore_mem>>, %arg16: memref<!tpu.dma_semaphore, #tpu.memory_space<semaphore_mem>>, %arg17: memref<!tpu.dma_semaphore, #tpu.memory_space<semaphore_mem>>, %arg18: memref<!tpu.dma_semaphore, #tpu.memory_space<semaphore_mem>>, %arg19: memref<!tpu.dma_semaphore, #tpu.memory_space<semaphore_mem>>, %arg20: memref<!tpu.dma_semaphore, #tpu.memory_space<semaphore_mem>>, %arg21: memref<!tpu.dma_semaphore, #tpu.memory_space<semaphore_mem>>) attributes {dimension_semantics = [#tpu.dimension_semantics<core_parallel>, #tpu.dimension_semantics<subcore_parallel>], iteration_bounds = array<i64: 2, 16>, scalar_prefetch = 0 : i64, scratch_operands = 17 : i64, tpu.core_type = #tpu.core_type<sc_vector_subcore>, window_params = [{transform_indices = #map}, {transform_indices = #map1}, {transform_indices = #map}]} {
    %mul3A = arith.constant 2 : i32
    %mul3A_0 = arith.muli %arg1, %mul3A : i32
    %add3A = arith.addi %mul3A_0, %arg0 : i32
    %mul3A_1 = arith.constant 6400 : i32
    %mul3A_2 = arith.muli %add3A, %mul3A_1 : i32
    %eq3A = arith.constant 0 : i32
    %eq3A_3 = arith.cmpi eq, %arg1, %eq3A : i32
    %convert_element_type3A = arith.extui %eq3A_3 : i1 to i32
    %cond3A = arith.constant 0 : i32
    %cond3A_4 = arith.cmpi ne, %convert_element_type3A, %cond3A : i32
    scf.if %cond3A_4 {
      "tpu.region"() ({
        %run_scoped3A = tpu.sem_alloc : memref<!tpu.dma_semaphore, #tpu.memory_space<semaphore_mem>>
        tpu.enqueue_dma source(%arg2 : memref<1002x128xf32, #tpu.memory_space<hbm>>) target(%arg7 : memref<1002x128xf32, #tpu.memory_space<vmem_shared>>) target_semaphore(%run_scoped3A : memref<!tpu.dma_semaphore, #tpu.memory_space<semaphore_mem>>)
        tpu.wait_dma2 semaphore(%run_scoped3A : memref<!tpu.dma_semaphore, #tpu.memory_space<semaphore_mem>>) src(%arg2 : memref<1002x128xf32, #tpu.memory_space<hbm>>) dst(%arg7 : memref<1002x128xf32, #tpu.memory_space<vmem_shared>>)
        tpu.yield
      }) : () -> ()
    } else {
    }
    "tpu.region"() ({
      %run_scoped3A = tpu.sem_alloc : memref<!tpu.dma_semaphore, #tpu.memory_space<semaphore_mem>>
      %dma_start3A = arith.constant 0 : i32
      %dma_start3A_114 = arith.constant 0 : i32
      %dma_start3A_115 = tpu.memref_slice %arg3[%add3A, %dma_start3A, %dma_start3A_114] : memref<32x50x128xi32, #tpu.memory_space<hbm>> -> memref<1x50x128xi32, #tpu.memory_space<hbm>>
      %dma_start3A_116 = tpu.memref_squeeze %dma_start3A_115 : memref<1x50x128xi32, #tpu.memory_space<hbm>> -> memref<50x128xi32, #tpu.memory_space<hbm>>
      %dma_start3A_117 = arith.constant 0 : i32
      %dma_start3A_118 = arith.constant 0 : i32
      %dma_start3A_119 = tpu.memref_slice %arg3[%add3A, %dma_start3A_117, %dma_start3A_118] : memref<32x50x128xi32, #tpu.memory_space<hbm>> -> memref<1x50x128xi32, #tpu.memory_space<hbm>>
      %dma_start3A_120 = tpu.memref_squeeze %dma_start3A_119 : memref<1x50x128xi32, #tpu.memory_space<hbm>> -> memref<50x128xi32, #tpu.memory_space<hbm>>
      tpu.enqueue_dma source(%dma_start3A_120 : memref<50x128xi32, #tpu.memory_space<hbm>>) target(%arg5 : memref<50x128xi32, #tpu.memory_space<vmem>>) target_semaphore(%run_scoped3A : memref<!tpu.dma_semaphore, #tpu.memory_space<semaphore_mem>>)
      %dma_wait3A_121 = arith.constant 0 : i32
      %dma_wait3A_122 = arith.constant 0 : i32
      %dma_wait3A_123 = tpu.memref_slice %arg3[%add3A, %dma_wait3A_121, %dma_wait3A_122] : memref<32x50x128xi32, #tpu.memory_space<hbm>> -> memref<1x50x128xi32, #tpu.memory_space<hbm>>
      %dma_wait3A_124 = tpu.memref_squeeze %dma_wait3A_123 : memref<1x50x128xi32, #tpu.memory_space<hbm>> -> memref<50x128xi32, #tpu.memory_space<hbm>>
      %dma_wait3A_125 = arith.constant 0 : i32
      %dma_wait3A_126 = arith.constant 0 : i32
      %dma_wait3A_127 = tpu.memref_slice %arg3[%add3A, %dma_wait3A_125, %dma_wait3A_126] : memref<32x50x128xi32, #tpu.memory_space<hbm>> -> memref<1x50x128xi32, #tpu.memory_space<hbm>>
      %dma_wait3A_128 = tpu.memref_squeeze %dma_wait3A_127 : memref<1x50x128xi32, #tpu.memory_space<hbm>> -> memref<50x128xi32, #tpu.memory_space<hbm>>
      tpu.wait_dma2 semaphore(%run_scoped3A : memref<!tpu.dma_semaphore, #tpu.memory_space<semaphore_mem>>) src(%dma_wait3A_128 : memref<50x128xi32, #tpu.memory_space<hbm>>) dst(%arg5 : memref<50x128xi32, #tpu.memory_space<vmem>>)
      tpu.yield
    }) : () -> ()
    %barrier3A = arith.constant 0 : index
    tpu.barrier barrier_id(%barrier3A)
    %scan3A = arith.constant 0 : i32
    %scan3A_5 = arith.constant 0 : i32
    %scan3A_6 = arith.constant 8 : i32
    %scan3A_7 = arith.addi %scan3A_5, %scan3A_6 : i32
    %scan3A_8 = arith.constant 1 : i32
    scf.for %scan3A_114 = %scan3A_5 to %scan3A_7 step %scan3A_8  : i32 {
      %mul3A_115 = arith.constant 7 : i32
      %mul3A_116 = arith.muli %scan3A_114, %mul3A_115 : i32
      %add3A_117 = arith.constant 0 : i32
      %add3A_118 = arith.addi %mul3A_116, %add3A_117 : i32
      %ge3A = arith.constant 7 : i32
      %ge3A_119 = arith.cmpi sge, %add3A_118, %ge3A : i32
      %lt3A = arith.constant 50 : i32
      %lt3A_120 = arith.cmpi slt, %add3A_118, %lt3A : i32
      %and3A = arith.andi %ge3A_119, %lt3A_120 : i1
      %convert_element_type3A_121 = arith.extui %and3A : i1 to i32
      %cond3A_122 = arith.constant 0 : i32
      %cond3A_123 = arith.cmpi ne, %convert_element_type3A_121, %cond3A_122 : i32
      scf.if %cond3A_123 {
        %dma_wait3A_294 = arith.constant 0 : i32
        %dma_wait3A_295 = arith.constant 0 : i32
        %dma_wait3A_296 = arith.constant 0 : i32
        %dma_wait3A_297 = tpu.memref_slice %arg6[%dma_wait3A_294, %dma_wait3A_295, %dma_wait3A_296] : memref<7x128x128xf32, #tpu.memory_space<vmem>> -> memref<1x128x128xf32, #tpu.memory_space<vmem>>
        %dma_wait3A_298 = tpu.memref_squeeze %dma_wait3A_297 : memref<1x128x128xf32, #tpu.memory_space<vmem>> -> memref<128x128xf32, #tpu.memory_space<vmem>>
        %dma_wait3A_299 = arith.constant 0 : i32
        %dma_wait3A_300 = arith.constant 0 : i32
        %dma_wait3A_301 = tpu.memref_slice %arg4[%dma_wait3A_299, %dma_wait3A_300] : memref<204800x128xf32, #tpu.memory_space<hbm>> -> memref<128x128xf32, #tpu.memory_space<hbm>>
        %dma_wait3A_302 = arith.constant 0 : i32
        %dma_wait3A_303 = arith.constant 0 : i32
        %dma_wait3A_304 = tpu.memref_slice %arg4[%dma_wait3A_302, %dma_wait3A_303] : memref<204800x128xf32, #tpu.memory_space<hbm>> -> memref<128x128xf32, #tpu.memory_space<hbm>>
        %dma_wait3A_305 = arith.constant 0 : i32
        %dma_wait3A_306 = arith.constant 0 : i32
        %dma_wait3A_307 = tpu.memref_slice %arg6[%dma_wait3A_294, %dma_wait3A_305, %dma_wait3A_306] : memref<7x128x128xf32, #tpu.memory_space<vmem>> -> memref<1x128x128xf32, #tpu.memory_space<vmem>>
        %dma_wait3A_308 = tpu.memref_squeeze %dma_wait3A_307 : memref<1x128x128xf32, #tpu.memory_space<vmem>> -> memref<128x128xf32, #tpu.memory_space<vmem>>
        tpu.wait_dma2 semaphore(%arg15 : memref<!tpu.dma_semaphore, #tpu.memory_space<semaphore_mem>>) src(%dma_wait3A_308 : memref<128x128xf32, #tpu.memory_space<vmem>>) dst(%dma_wait3A_304 : memref<128x128xf32, #tpu.memory_space<hbm>>)
      } else {
      }
      %lt3A_124 = arith.constant 50 : i32
      %lt3A_125 = arith.cmpi slt, %add3A_118, %lt3A_124 : i32
      %convert_element_type3A_126 = arith.extui %lt3A_125 : i1 to i32
      %cond3A_127 = arith.constant 0 : i32
      %cond3A_128 = arith.cmpi ne, %convert_element_type3A_126, %cond3A_127 : i32
      scf.if %cond3A_128 {
        %dma_start3A = arith.constant 0 : i32
        %dma_start3A_294 = arith.constant 0 : i32
        %dma_start3A_295 = arith.constant 0 : i32
        %dma_start3A_296 = tpu.memref_slice %arg6[%dma_start3A, %dma_start3A_294, %dma_start3A_295] : memref<7x128x128xf32, #tpu.memory_space<vmem>> -> memref<1x128x128xf32, #tpu.memory_space<vmem>>
        %dma_start3A_297 = tpu.memref_squeeze %dma_start3A_296 : memref<1x128x128xf32, #tpu.memory_space<vmem>> -> memref<128x128xf32, #tpu.memory_space<vmem>>
        %dma_start3A_298 = arith.constant 0 : i32
        %dma_start3A_299 = tpu.memref_slice %arg5[%add3A_118, %dma_start3A_298] : memref<50x128xi32, #tpu.memory_space<vmem>> -> memref<1x128xi32, #tpu.memory_space<vmem>>
        %dma_start3A_300 = tpu.memref_squeeze %dma_start3A_299 : memref<1x128xi32, #tpu.memory_space<vmem>> -> memref<128xi32, #tpu.memory_space<vmem>>
        %dma_start3A_301 = arith.constant 0 : i32
        %dma_start3A_302 = arith.constant 0 : i32
        %dma_start3A_303 = tpu.memref_slice %arg7[%dma_start3A_301, %dma_start3A_302] : memref<1002x128xf32, #tpu.memory_space<vmem_shared>> -> memref<1002x128xf32, #tpu.memory_space<vmem_shared>>
        tpu.enqueue_indirect_dma source(%dma_start3A_303 : memref<1002x128xf32, #tpu.memory_space<vmem_shared>>) target(%dma_start3A_297 : memref<128x128xf32, #tpu.memory_space<vmem>>) offsets(%dma_start3A_300 : memref<128xi32, #tpu.memory_space<vmem>>) semaphore(%arg8 : memref<!tpu.dma_semaphore, #tpu.memory_space<semaphore_mem>>)
      } else {
      }
      %mul3A_129 = arith.constant 7 : i32
      %mul3A_130 = arith.muli %scan3A_114, %mul3A_129 : i32
      %add3A_131 = arith.constant 1 : i32
      %add3A_132 = arith.addi %mul3A_130, %add3A_131 : i32
      %ge3A_133 = arith.constant 7 : i32
      %ge3A_134 = arith.cmpi sge, %add3A_132, %ge3A_133 : i32
      %lt3A_135 = arith.constant 50 : i32
      %lt3A_136 = arith.cmpi slt, %add3A_132, %lt3A_135 : i32
      %and3A_137 = arith.andi %ge3A_134, %lt3A_136 : i1
      %convert_element_type3A_138 = arith.extui %and3A_137 : i1 to i32
      %cond3A_139 = arith.constant 0 : i32
      %cond3A_140 = arith.cmpi ne, %convert_element_type3A_138, %cond3A_139 : i32
      scf.if %cond3A_140 {
        %dma_wait3A_294 = arith.constant 1 : i32
        %dma_wait3A_295 = arith.constant 0 : i32
        %dma_wait3A_296 = arith.constant 0 : i32
        %dma_wait3A_297 = tpu.memref_slice %arg6[%dma_wait3A_294, %dma_wait3A_295, %dma_wait3A_296] : memref<7x128x128xf32, #tpu.memory_space<vmem>> -> memref<1x128x128xf32, #tpu.memory_space<vmem>>
        %dma_wait3A_298 = tpu.memref_squeeze %dma_wait3A_297 : memref<1x128x128xf32, #tpu.memory_space<vmem>> -> memref<128x128xf32, #tpu.memory_space<vmem>>
        %dma_wait3A_299 = arith.constant 0 : i32
        %dma_wait3A_300 = arith.constant 0 : i32
        %dma_wait3A_301 = tpu.memref_slice %arg4[%dma_wait3A_299, %dma_wait3A_300] : memref<204800x128xf32, #tpu.memory_space<hbm>> -> memref<128x128xf32, #tpu.memory_space<hbm>>
        %dma_wait3A_302 = arith.constant 0 : i32
        %dma_wait3A_303 = arith.constant 0 : i32
        %dma_wait3A_304 = tpu.memref_slice %arg4[%dma_wait3A_302, %dma_wait3A_303] : memref<204800x128xf32, #tpu.memory_space<hbm>> -> memref<128x128xf32, #tpu.memory_space<hbm>>
        %dma_wait3A_305 = arith.constant 0 : i32
        %dma_wait3A_306 = arith.constant 0 : i32
        %dma_wait3A_307 = tpu.memref_slice %arg6[%dma_wait3A_294, %dma_wait3A_305, %dma_wait3A_306] : memref<7x128x128xf32, #tpu.memory_space<vmem>> -> memref<1x128x128xf32, #tpu.memory_space<vmem>>
        %dma_wait3A_308 = tpu.memref_squeeze %dma_wait3A_307 : memref<1x128x128xf32, #tpu.memory_space<vmem>> -> memref<128x128xf32, #tpu.memory_space<vmem>>
        tpu.wait_dma2 semaphore(%arg16 : memref<!tpu.dma_semaphore, #tpu.memory_space<semaphore_mem>>) src(%dma_wait3A_308 : memref<128x128xf32, #tpu.memory_space<vmem>>) dst(%dma_wait3A_304 : memref<128x128xf32, #tpu.memory_space<hbm>>)
      } else {
      }
      %lt3A_141 = arith.constant 50 : i32
      %lt3A_142 = arith.cmpi slt, %add3A_132, %lt3A_141 : i32
      %convert_element_type3A_143 = arith.extui %lt3A_142 : i1 to i32
      %cond3A_144 = arith.constant 0 : i32
      %cond3A_145 = arith.cmpi ne, %convert_element_type3A_143, %cond3A_144 : i32
      scf.if %cond3A_145 {
        %dma_start3A = arith.constant 1 : i32
        %dma_start3A_294 = arith.constant 0 : i32
        %dma_start3A_295 = arith.constant 0 : i32
        %dma_start3A_296 = tpu.memref_slice %arg6[%dma_start3A, %dma_start3A_294, %dma_start3A_295] : memref<7x128x128xf32, #tpu.memory_space<vmem>> -> memref<1x128x128xf32, #tpu.memory_space<vmem>>
        %dma_start3A_297 = tpu.memref_squeeze %dma_start3A_296 : memref<1x128x128xf32, #tpu.memory_space<vmem>> -> memref<128x128xf32, #tpu.memory_space<vmem>>
        %dma_start3A_298 = arith.constant 0 : i32
        %dma_start3A_299 = tpu.memref_slice %arg5[%add3A_132, %dma_start3A_298] : memref<50x128xi32, #tpu.memory_space<vmem>> -> memref<1x128xi32, #tpu.memory_space<vmem>>
        %dma_start3A_300 = tpu.memref_squeeze %dma_start3A_299 : memref<1x128xi32, #tpu.memory_space<vmem>> -> memref<128xi32, #tpu.memory_space<vmem>>
        %dma_start3A_301 = arith.constant 0 : i32
        %dma_start3A_302 = arith.constant 0 : i32
        %dma_start3A_303 = tpu.memref_slice %arg7[%dma_start3A_301, %dma_start3A_302] : memref<1002x128xf32, #tpu.memory_space<vmem_shared>> -> memref<1002x128xf32, #tpu.memory_space<vmem_shared>>
        tpu.enqueue_indirect_dma source(%dma_start3A_303 : memref<1002x128xf32, #tpu.memory_space<vmem_shared>>) target(%dma_start3A_297 : memref<128x128xf32, #tpu.memory_space<vmem>>) offsets(%dma_start3A_300 : memref<128xi32, #tpu.memory_space<vmem>>) semaphore(%arg9 : memref<!tpu.dma_semaphore, #tpu.memory_space<semaphore_mem>>)
      } else {
      }
      %mul3A_146 = arith.constant 7 : i32
      %mul3A_147 = arith.muli %scan3A_114, %mul3A_146 : i32
      %add3A_148 = arith.constant 2 : i32
      %add3A_149 = arith.addi %mul3A_147, %add3A_148 : i32
      %ge3A_150 = arith.constant 7 : i32
      %ge3A_151 = arith.cmpi sge, %add3A_149, %ge3A_150 : i32
      %lt3A_152 = arith.constant 50 : i32
      %lt3A_153 = arith.cmpi slt, %add3A_149, %lt3A_152 : i32
      %and3A_154 = arith.andi %ge3A_151, %lt3A_153 : i1
      %convert_element_type3A_155 = arith.extui %and3A_154 : i1 to i32
      %cond3A_156 = arith.constant 0 : i32
      %cond3A_157 = arith.cmpi ne, %convert_element_type3A_155, %cond3A_156 : i32
      scf.if %cond3A_157 {
        %dma_wait3A_294 = arith.constant 2 : i32
        %dma_wait3A_295 = arith.constant 0 : i32
        %dma_wait3A_296 = arith.constant 0 : i32
        %dma_wait3A_297 = tpu.memref_slice %arg6[%dma_wait3A_294, %dma_wait3A_295, %dma_wait3A_296] : memref<7x128x128xf32, #tpu.memory_space<vmem>> -> memref<1x128x128xf32, #tpu.memory_space<vmem>>
        %dma_wait3A_298 = tpu.memref_squeeze %dma_wait3A_297 : memref<1x128x128xf32, #tpu.memory_space<vmem>> -> memref<128x128xf32, #tpu.memory_space<vmem>>
        %dma_wait3A_299 = arith.constant 0 : i32
        %dma_wait3A_300 = arith.constant 0 : i32
        %dma_wait3A_301 = tpu.memref_slice %arg4[%dma_wait3A_299, %dma_wait3A_300] : memref<204800x128xf32, #tpu.memory_space<hbm>> -> memref<128x128xf32, #tpu.memory_space<hbm>>
        %dma_wait3A_302 = arith.constant 0 : i32
        %dma_wait3A_303 = arith.constant 0 : i32
        %dma_wait3A_304 = tpu.memref_slice %arg4[%dma_wait3A_302, %dma_wait3A_303] : memref<204800x128xf32, #tpu.memory_space<hbm>> -> memref<128x128xf32, #tpu.memory_space<hbm>>
        %dma_wait3A_305 = arith.constant 0 : i32
        %dma_wait3A_306 = arith.constant 0 : i32
        %dma_wait3A_307 = tpu.memref_slice %arg6[%dma_wait3A_294, %dma_wait3A_305, %dma_wait3A_306] : memref<7x128x128xf32, #tpu.memory_space<vmem>> -> memref<1x128x128xf32, #tpu.memory_space<vmem>>
        %dma_wait3A_308 = tpu.memref_squeeze %dma_wait3A_307 : memref<1x128x128xf32, #tpu.memory_space<vmem>> -> memref<128x128xf32, #tpu.memory_space<vmem>>
        tpu.wait_dma2 semaphore(%arg17 : memref<!tpu.dma_semaphore, #tpu.memory_space<semaphore_mem>>) src(%dma_wait3A_308 : memref<128x128xf32, #tpu.memory_space<vmem>>) dst(%dma_wait3A_304 : memref<128x128xf32, #tpu.memory_space<hbm>>)
      } else {
      }
      %lt3A_158 = arith.constant 50 : i32
      %lt3A_159 = arith.cmpi slt, %add3A_149, %lt3A_158 : i32
      %convert_element_type3A_160 = arith.extui %lt3A_159 : i1 to i32
      %cond3A_161 = arith.constant 0 : i32
      %cond3A_162 = arith.cmpi ne, %convert_element_type3A_160, %cond3A_161 : i32
      scf.if %cond3A_162 {
        %dma_start3A = arith.constant 2 : i32
        %dma_start3A_294 = arith.constant 0 : i32
        %dma_start3A_295 = arith.constant 0 : i32
        %dma_start3A_296 = tpu.memref_slice %arg6[%dma_start3A, %dma_start3A_294, %dma_start3A_295] : memref<7x128x128xf32, #tpu.memory_space<vmem>> -> memref<1x128x128xf32, #tpu.memory_space<vmem>>
        %dma_start3A_297 = tpu.memref_squeeze %dma_start3A_296 : memref<1x128x128xf32, #tpu.memory_space<vmem>> -> memref<128x128xf32, #tpu.memory_space<vmem>>
        %dma_start3A_298 = arith.constant 0 : i32
        %dma_start3A_299 = tpu.memref_slice %arg5[%add3A_149, %dma_start3A_298] : memref<50x128xi32, #tpu.memory_space<vmem>> -> memref<1x128xi32, #tpu.memory_space<vmem>>
        %dma_start3A_300 = tpu.memref_squeeze %dma_start3A_299 : memref<1x128xi32, #tpu.memory_space<vmem>> -> memref<128xi32, #tpu.memory_space<vmem>>
        %dma_start3A_301 = arith.constant 0 : i32
        %dma_start3A_302 = arith.constant 0 : i32
        %dma_start3A_303 = tpu.memref_slice %arg7[%dma_start3A_301, %dma_start3A_302] : memref<1002x128xf32, #tpu.memory_space<vmem_shared>> -> memref<1002x128xf32, #tpu.memory_space<vmem_shared>>
        tpu.enqueue_indirect_dma source(%dma_start3A_303 : memref<1002x128xf32, #tpu.memory_space<vmem_shared>>) target(%dma_start3A_297 : memref<128x128xf32, #tpu.memory_space<vmem>>) offsets(%dma_start3A_300 : memref<128xi32, #tpu.memory_space<vmem>>) semaphore(%arg10 : memref<!tpu.dma_semaphore, #tpu.memory_space<semaphore_mem>>)
      } else {
      }
      %mul3A_163 = arith.constant 7 : i32
      %mul3A_164 = arith.muli %scan3A_114, %mul3A_163 : i32
      %add3A_165 = arith.constant 3 : i32
      %add3A_166 = arith.addi %mul3A_164, %add3A_165 : i32
      %ge3A_167 = arith.constant 7 : i32
      %ge3A_168 = arith.cmpi sge, %add3A_166, %ge3A_167 : i32
      %lt3A_169 = arith.constant 50 : i32
      %lt3A_170 = arith.cmpi slt, %add3A_166, %lt3A_169 : i32
      %and3A_171 = arith.andi %ge3A_168, %lt3A_170 : i1
      %convert_element_type3A_172 = arith.extui %and3A_171 : i1 to i32
      %cond3A_173 = arith.constant 0 : i32
      %cond3A_174 = arith.cmpi ne, %convert_element_type3A_172, %cond3A_173 : i32
      scf.if %cond3A_174 {
        %dma_wait3A_294 = arith.constant 3 : i32
        %dma_wait3A_295 = arith.constant 0 : i32
        %dma_wait3A_296 = arith.constant 0 : i32
        %dma_wait3A_297 = tpu.memref_slice %arg6[%dma_wait3A_294, %dma_wait3A_295, %dma_wait3A_296] : memref<7x128x128xf32, #tpu.memory_space<vmem>> -> memref<1x128x128xf32, #tpu.memory_space<vmem>>
        %dma_wait3A_298 = tpu.memref_squeeze %dma_wait3A_297 : memref<1x128x128xf32, #tpu.memory_space<vmem>> -> memref<128x128xf32, #tpu.memory_space<vmem>>
        %dma_wait3A_299 = arith.constant 0 : i32
        %dma_wait3A_300 = arith.constant 0 : i32
        %dma_wait3A_301 = tpu.memref_slice %arg4[%dma_wait3A_299, %dma_wait3A_300] : memref<204800x128xf32, #tpu.memory_space<hbm>> -> memref<128x128xf32, #tpu.memory_space<hbm>>
        %dma_wait3A_302 = arith.constant 0 : i32
        %dma_wait3A_303 = arith.constant 0 : i32
        %dma_wait3A_304 = tpu.memref_slice %arg4[%dma_wait3A_302, %dma_wait3A_303] : memref<204800x128xf32, #tpu.memory_space<hbm>> -> memref<128x128xf32, #tpu.memory_space<hbm>>
        %dma_wait3A_305 = arith.constant 0 : i32
        %dma_wait3A_306 = arith.constant 0 : i32
        %dma_wait3A_307 = tpu.memref_slice %arg6[%dma_wait3A_294, %dma_wait3A_305, %dma_wait3A_306] : memref<7x128x128xf32, #tpu.memory_space<vmem>> -> memref<1x128x128xf32, #tpu.memory_space<vmem>>
        %dma_wait3A_308 = tpu.memref_squeeze %dma_wait3A_307 : memref<1x128x128xf32, #tpu.memory_space<vmem>> -> memref<128x128xf32, #tpu.memory_space<vmem>>
        tpu.wait_dma2 semaphore(%arg18 : memref<!tpu.dma_semaphore, #tpu.memory_space<semaphore_mem>>) src(%dma_wait3A_308 : memref<128x128xf32, #tpu.memory_space<vmem>>) dst(%dma_wait3A_304 : memref<128x128xf32, #tpu.memory_space<hbm>>)
      } else {
      }
      %lt3A_175 = arith.constant 50 : i32
      %lt3A_176 = arith.cmpi slt, %add3A_166, %lt3A_175 : i32
      %convert_element_type3A_177 = arith.extui %lt3A_176 : i1 to i32
      %cond3A_178 = arith.constant 0 : i32
      %cond3A_179 = arith.cmpi ne, %convert_element_type3A_177, %cond3A_178 : i32
      scf.if %cond3A_179 {
        %dma_start3A = arith.constant 3 : i32
        %dma_start3A_294 = arith.constant 0 : i32
        %dma_start3A_295 = arith.constant 0 : i32
        %dma_start3A_296 = tpu.memref_slice %arg6[%dma_start3A, %dma_start3A_294, %dma_start3A_295] : memref<7x128x128xf32, #tpu.memory_space<vmem>> -> memref<1x128x128xf32, #tpu.memory_space<vmem>>
        %dma_start3A_297 = tpu.memref_squeeze %dma_start3A_296 : memref<1x128x128xf32, #tpu.memory_space<vmem>> -> memref<128x128xf32, #tpu.memory_space<vmem>>
        %dma_start3A_298 = arith.constant 0 : i32
        %dma_start3A_299 = tpu.memref_slice %arg5[%add3A_166, %dma_start3A_298] : memref<50x128xi32, #tpu.memory_space<vmem>> -> memref<1x128xi32, #tpu.memory_space<vmem>>
        %dma_start3A_300 = tpu.memref_squeeze %dma_start3A_299 : memref<1x128xi32, #tpu.memory_space<vmem>> -> memref<128xi32, #tpu.memory_space<vmem>>
        %dma_start3A_301 = arith.constant 0 : i32
        %dma_start3A_302 = arith.constant 0 : i32
        %dma_start3A_303 = tpu.memref_slice %arg7[%dma_start3A_301, %dma_start3A_302] : memref<1002x128xf32, #tpu.memory_space<vmem_shared>> -> memref<1002x128xf32, #tpu.memory_space<vmem_shared>>
        tpu.enqueue_indirect_dma source(%dma_start3A_303 : memref<1002x128xf32, #tpu.memory_space<vmem_shared>>) target(%dma_start3A_297 : memref<128x128xf32, #tpu.memory_space<vmem>>) offsets(%dma_start3A_300 : memref<128xi32, #tpu.memory_space<vmem>>) semaphore(%arg11 : memref<!tpu.dma_semaphore, #tpu.memory_space<semaphore_mem>>)
      } else {
      }
      %mul3A_180 = arith.constant 7 : i32
      %mul3A_181 = arith.muli %scan3A_114, %mul3A_180 : i32
      %add3A_182 = arith.constant 4 : i32
      %add3A_183 = arith.addi %mul3A_181, %add3A_182 : i32
      %ge3A_184 = arith.constant 7 : i32
      %ge3A_185 = arith.cmpi sge, %add3A_183, %ge3A_184 : i32
      %lt3A_186 = arith.constant 50 : i32
      %lt3A_187 = arith.cmpi slt, %add3A_183, %lt3A_186 : i32
      %and3A_188 = arith.andi %ge3A_185, %lt3A_187 : i1
      %convert_element_type3A_189 = arith.extui %and3A_188 : i1 to i32
      %cond3A_190 = arith.constant 0 : i32
      %cond3A_191 = arith.cmpi ne, %convert_element_type3A_189, %cond3A_190 : i32
      scf.if %cond3A_191 {
        %dma_wait3A_294 = arith.constant 4 : i32
        %dma_wait3A_295 = arith.constant 0 : i32
        %dma_wait3A_296 = arith.constant 0 : i32
        %dma_wait3A_297 = tpu.memref_slice %arg6[%dma_wait3A_294, %dma_wait3A_295, %dma_wait3A_296] : memref<7x128x128xf32, #tpu.memory_space<vmem>> -> memref<1x128x128xf32, #tpu.memory_space<vmem>>
        %dma_wait3A_298 = tpu.memref_squeeze %dma_wait3A_297 : memref<1x128x128xf32, #tpu.memory_space<vmem>> -> memref<128x128xf32, #tpu.memory_space<vmem>>
        %dma_wait3A_299 = arith.constant 0 : i32
        %dma_wait3A_300 = arith.constant 0 : i32
        %dma_wait3A_301 = tpu.memref_slice %arg4[%dma_wait3A_299, %dma_wait3A_300] : memref<204800x128xf32, #tpu.memory_space<hbm>> -> memref<128x128xf32, #tpu.memory_space<hbm>>
        %dma_wait3A_302 = arith.constant 0 : i32
        %dma_wait3A_303 = arith.constant 0 : i32
        %dma_wait3A_304 = tpu.memref_slice %arg4[%dma_wait3A_302, %dma_wait3A_303] : memref<204800x128xf32, #tpu.memory_space<hbm>> -> memref<128x128xf32, #tpu.memory_space<hbm>>
        %dma_wait3A_305 = arith.constant 0 : i32
        %dma_wait3A_306 = arith.constant 0 : i32
        %dma_wait3A_307 = tpu.memref_slice %arg6[%dma_wait3A_294, %dma_wait3A_305, %dma_wait3A_306] : memref<7x128x128xf32, #tpu.memory_space<vmem>> -> memref<1x128x128xf32, #tpu.memory_space<vmem>>
        %dma_wait3A_308 = tpu.memref_squeeze %dma_wait3A_307 : memref<1x128x128xf32, #tpu.memory_space<vmem>> -> memref<128x128xf32, #tpu.memory_space<vmem>>
        tpu.wait_dma2 semaphore(%arg19 : memref<!tpu.dma_semaphore, #tpu.memory_space<semaphore_mem>>) src(%dma_wait3A_308 : memref<128x128xf32, #tpu.memory_space<vmem>>) dst(%dma_wait3A_304 : memref<128x128xf32, #tpu.memory_space<hbm>>)
      } else {
      }
      %lt3A_192 = arith.constant 50 : i32
      %lt3A_193 = arith.cmpi slt, %add3A_183, %lt3A_192 : i32
      %convert_element_type3A_194 = arith.extui %lt3A_193 : i1 to i32
      %cond3A_195 = arith.constant 0 : i32
      %cond3A_196 = arith.cmpi ne, %convert_element_type3A_194, %cond3A_195 : i32
      scf.if %cond3A_196 {
        %dma_start3A = arith.constant 4 : i32
        %dma_start3A_294 = arith.constant 0 : i32
        %dma_start3A_295 = arith.constant 0 : i32
        %dma_start3A_296 = tpu.memref_slice %arg6[%dma_start3A, %dma_start3A_294, %dma_start3A_295] : memref<7x128x128xf32, #tpu.memory_space<vmem>> -> memref<1x128x128xf32, #tpu.memory_space<vmem>>
        %dma_start3A_297 = tpu.memref_squeeze %dma_start3A_296 : memref<1x128x128xf32, #tpu.memory_space<vmem>> -> memref<128x128xf32, #tpu.memory_space<vmem>>
        %dma_start3A_298 = arith.constant 0 : i32
        %dma_start3A_299 = tpu.memref_slice %arg5[%add3A_183, %dma_start3A_298] : memref<50x128xi32, #tpu.memory_space<vmem>> -> memref<1x128xi32, #tpu.memory_space<vmem>>
        %dma_start3A_300 = tpu.memref_squeeze %dma_start3A_299 : memref<1x128xi32, #tpu.memory_space<vmem>> -> memref<128xi32, #tpu.memory_space<vmem>>
        %dma_start3A_301 = arith.constant 0 : i32
        %dma_start3A_302 = arith.constant 0 : i32
        %dma_start3A_303 = tpu.memref_slice %arg7[%dma_start3A_301, %dma_start3A_302] : memref<1002x128xf32, #tpu.memory_space<vmem_shared>> -> memref<1002x128xf32, #tpu.memory_space<vmem_shared>>
        tpu.enqueue_indirect_dma source(%dma_start3A_303 : memref<1002x128xf32, #tpu.memory_space<vmem_shared>>) target(%dma_start3A_297 : memref<128x128xf32, #tpu.memory_space<vmem>>) offsets(%dma_start3A_300 : memref<128xi32, #tpu.memory_space<vmem>>) semaphore(%arg12 : memref<!tpu.dma_semaphore, #tpu.memory_space<semaphore_mem>>)
      } else {
      }
      %mul3A_197 = arith.constant 7 : i32
      %mul3A_198 = arith.muli %scan3A_114, %mul3A_197 : i32
      %add3A_199 = arith.constant 5 : i32
      %add3A_200 = arith.addi %mul3A_198, %add3A_199 : i32
      %ge3A_201 = arith.constant 7 : i32
      %ge3A_202 = arith.cmpi sge, %add3A_200, %ge3A_201 : i32
      %lt3A_203 = arith.constant 50 : i32
      %lt3A_204 = arith.cmpi slt, %add3A_200, %lt3A_203 : i32
      %and3A_205 = arith.andi %ge3A_202, %lt3A_204 : i1
      %convert_element_type3A_206 = arith.extui %and3A_205 : i1 to i32
      %cond3A_207 = arith.constant 0 : i32
      %cond3A_208 = arith.cmpi ne, %convert_element_type3A_206, %cond3A_207 : i32
      scf.if %cond3A_208 {
        %dma_wait3A_294 = arith.constant 5 : i32
        %dma_wait3A_295 = arith.constant 0 : i32
        %dma_wait3A_296 = arith.constant 0 : i32
        %dma_wait3A_297 = tpu.memref_slice %arg6[%dma_wait3A_294, %dma_wait3A_295, %dma_wait3A_296] : memref<7x128x128xf32, #tpu.memory_space<vmem>> -> memref<1x128x128xf32, #tpu.memory_space<vmem>>
        %dma_wait3A_298 = tpu.memref_squeeze %dma_wait3A_297 : memref<1x128x128xf32, #tpu.memory_space<vmem>> -> memref<128x128xf32, #tpu.memory_space<vmem>>
        %dma_wait3A_299 = arith.constant 0 : i32
        %dma_wait3A_300 = arith.constant 0 : i32
        %dma_wait3A_301 = tpu.memref_slice %arg4[%dma_wait3A_299, %dma_wait3A_300] : memref<204800x128xf32, #tpu.memory_space<hbm>> -> memref<128x128xf32, #tpu.memory_space<hbm>>
        %dma_wait3A_302 = arith.constant 0 : i32
        %dma_wait3A_303 = arith.constant 0 : i32
        %dma_wait3A_304 = tpu.memref_slice %arg4[%dma_wait3A_302, %dma_wait3A_303] : memref<204800x128xf32, #tpu.memory_space<hbm>> -> memref<128x128xf32, #tpu.memory_space<hbm>>
        %dma_wait3A_305 = arith.constant 0 : i32
        %dma_wait3A_306 = arith.constant 0 : i32
        %dma_wait3A_307 = tpu.memref_slice %arg6[%dma_wait3A_294, %dma_wait3A_305, %dma_wait3A_306] : memref<7x128x128xf32, #tpu.memory_space<vmem>> -> memref<1x128x128xf32, #tpu.memory_space<vmem>>
        %dma_wait3A_308 = tpu.memref_squeeze %dma_wait3A_307 : memref<1x128x128xf32, #tpu.memory_space<vmem>> -> memref<128x128xf32, #tpu.memory_space<vmem>>
        tpu.wait_dma2 semaphore(%arg20 : memref<!tpu.dma_semaphore, #tpu.memory_space<semaphore_mem>>) src(%dma_wait3A_308 : memref<128x128xf32, #tpu.memory_space<vmem>>) dst(%dma_wait3A_304 : memref<128x128xf32, #tpu.memory_space<hbm>>)
      } else {
      }
      %lt3A_209 = arith.constant 50 : i32
      %lt3A_210 = arith.cmpi slt, %add3A_200, %lt3A_209 : i32
      %convert_element_type3A_211 = arith.extui %lt3A_210 : i1 to i32
      %cond3A_212 = arith.constant 0 : i32
      %cond3A_213 = arith.cmpi ne, %convert_element_type3A_211, %cond3A_212 : i32
      scf.if %cond3A_213 {
        %dma_start3A = arith.constant 5 : i32
        %dma_start3A_294 = arith.constant 0 : i32
        %dma_start3A_295 = arith.constant 0 : i32
        %dma_start3A_296 = tpu.memref_slice %arg6[%dma_start3A, %dma_start3A_294, %dma_start3A_295] : memref<7x128x128xf32, #tpu.memory_space<vmem>> -> memref<1x128x128xf32, #tpu.memory_space<vmem>>
        %dma_start3A_297 = tpu.memref_squeeze %dma_start3A_296 : memref<1x128x128xf32, #tpu.memory_space<vmem>> -> memref<128x128xf32, #tpu.memory_space<vmem>>
        %dma_start3A_298 = arith.constant 0 : i32
        %dma_start3A_299 = tpu.memref_slice %arg5[%add3A_200, %dma_start3A_298] : memref<50x128xi32, #tpu.memory_space<vmem>> -> memref<1x128xi32, #tpu.memory_space<vmem>>
        %dma_start3A_300 = tpu.memref_squeeze %dma_start3A_299 : memref<1x128xi32, #tpu.memory_space<vmem>> -> memref<128xi32, #tpu.memory_space<vmem>>
        %dma_start3A_301 = arith.constant 0 : i32
        %dma_start3A_302 = arith.constant 0 : i32
        %dma_start3A_303 = tpu.memref_slice %arg2[%dma_start3A_301, %dma_start3A_302] : memref<1002x128xf32, #tpu.memory_space<hbm>> -> memref<1002x128xf32, #tpu.memory_space<hbm>>
        tpu.enqueue_indirect_dma source(%dma_start3A_303 : memref<1002x128xf32, #tpu.memory_space<hbm>>) target(%dma_start3A_297 : memref<128x128xf32, #tpu.memory_space<vmem>>) offsets(%dma_start3A_300 : memref<128xi32, #tpu.memory_space<vmem>>) semaphore(%arg13 : memref<!tpu.dma_semaphore, #tpu.memory_space<semaphore_mem>>)
      } else {
      }
      %mul3A_214 = arith.constant 7 : i32
      %mul3A_215 = arith.muli %scan3A_114, %mul3A_214 : i32
      %add3A_216 = arith.constant 6 : i32
      %add3A_217 = arith.addi %mul3A_215, %add3A_216 : i32
      %ge3A_218 = arith.constant 7 : i32
      %ge3A_219 = arith.cmpi sge, %add3A_217, %ge3A_218 : i32
      %lt3A_220 = arith.constant 50 : i32
      %lt3A_221 = arith.cmpi slt, %add3A_217, %lt3A_220 : i32
      %and3A_222 = arith.andi %ge3A_219, %lt3A_221 : i1
      %convert_element_type3A_223 = arith.extui %and3A_222 : i1 to i32
      %cond3A_224 = arith.constant 0 : i32
      %cond3A_225 = arith.cmpi ne, %convert_element_type3A_223, %cond3A_224 : i32
      scf.if %cond3A_225 {
        %dma_wait3A_294 = arith.constant 6 : i32
        %dma_wait3A_295 = arith.constant 0 : i32
        %dma_wait3A_296 = arith.constant 0 : i32
        %dma_wait3A_297 = tpu.memref_slice %arg6[%dma_wait3A_294, %dma_wait3A_295, %dma_wait3A_296] : memref<7x128x128xf32, #tpu.memory_space<vmem>> -> memref<1x128x128xf32, #tpu.memory_space<vmem>>
        %dma_wait3A_298 = tpu.memref_squeeze %dma_wait3A_297 : memref<1x128x128xf32, #tpu.memory_space<vmem>> -> memref<128x128xf32, #tpu.memory_space<vmem>>
        %dma_wait3A_299 = arith.constant 0 : i32
        %dma_wait3A_300 = arith.constant 0 : i32
        %dma_wait3A_301 = tpu.memref_slice %arg4[%dma_wait3A_299, %dma_wait3A_300] : memref<204800x128xf32, #tpu.memory_space<hbm>> -> memref<128x128xf32, #tpu.memory_space<hbm>>
        %dma_wait3A_302 = arith.constant 0 : i32
        %dma_wait3A_303 = arith.constant 0 : i32
        %dma_wait3A_304 = tpu.memref_slice %arg4[%dma_wait3A_302, %dma_wait3A_303] : memref<204800x128xf32, #tpu.memory_space<hbm>> -> memref<128x128xf32, #tpu.memory_space<hbm>>
        %dma_wait3A_305 = arith.constant 0 : i32
        %dma_wait3A_306 = arith.constant 0 : i32
        %dma_wait3A_307 = tpu.memref_slice %arg6[%dma_wait3A_294, %dma_wait3A_305, %dma_wait3A_306] : memref<7x128x128xf32, #tpu.memory_space<vmem>> -> memref<1x128x128xf32, #tpu.memory_space<vmem>>
        %dma_wait3A_308 = tpu.memref_squeeze %dma_wait3A_307 : memref<1x128x128xf32, #tpu.memory_space<vmem>> -> memref<128x128xf32, #tpu.memory_space<vmem>>
        tpu.wait_dma2 semaphore(%arg21 : memref<!tpu.dma_semaphore, #tpu.memory_space<semaphore_mem>>) src(%dma_wait3A_308 : memref<128x128xf32, #tpu.memory_space<vmem>>) dst(%dma_wait3A_304 : memref<128x128xf32, #tpu.memory_space<hbm>>)
      } else {
      }
      %lt3A_226 = arith.constant 50 : i32
      %lt3A_227 = arith.cmpi slt, %add3A_217, %lt3A_226 : i32
      %convert_element_type3A_228 = arith.extui %lt3A_227 : i1 to i32
      %cond3A_229 = arith.constant 0 : i32
      %cond3A_230 = arith.cmpi ne, %convert_element_type3A_228, %cond3A_229 : i32
      scf.if %cond3A_230 {
        %dma_start3A = arith.constant 6 : i32
        %dma_start3A_294 = arith.constant 0 : i32
        %dma_start3A_295 = arith.constant 0 : i32
        %dma_start3A_296 = tpu.memref_slice %arg6[%dma_start3A, %dma_start3A_294, %dma_start3A_295] : memref<7x128x128xf32, #tpu.memory_space<vmem>> -> memref<1x128x128xf32, #tpu.memory_space<vmem>>
        %dma_start3A_297 = tpu.memref_squeeze %dma_start3A_296 : memref<1x128x128xf32, #tpu.memory_space<vmem>> -> memref<128x128xf32, #tpu.memory_space<vmem>>
        %dma_start3A_298 = arith.constant 0 : i32
        %dma_start3A_299 = tpu.memref_slice %arg5[%add3A_217, %dma_start3A_298] : memref<50x128xi32, #tpu.memory_space<vmem>> -> memref<1x128xi32, #tpu.memory_space<vmem>>
        %dma_start3A_300 = tpu.memref_squeeze %dma_start3A_299 : memref<1x128xi32, #tpu.memory_space<vmem>> -> memref<128xi32, #tpu.memory_space<vmem>>
        %dma_start3A_301 = arith.constant 0 : i32
        %dma_start3A_302 = arith.constant 0 : i32
        %dma_start3A_303 = tpu.memref_slice %arg2[%dma_start3A_301, %dma_start3A_302] : memref<1002x128xf32, #tpu.memory_space<hbm>> -> memref<1002x128xf32, #tpu.memory_space<hbm>>
        tpu.enqueue_indirect_dma source(%dma_start3A_303 : memref<1002x128xf32, #tpu.memory_space<hbm>>) target(%dma_start3A_297 : memref<128x128xf32, #tpu.memory_space<vmem>>) offsets(%dma_start3A_300 : memref<128xi32, #tpu.memory_space<vmem>>) semaphore(%arg14 : memref<!tpu.dma_semaphore, #tpu.memory_space<semaphore_mem>>)
      } else {
      }
      %mul3A_231 = arith.constant 7 : i32
      %mul3A_232 = arith.muli %scan3A_114, %mul3A_231 : i32
      %add3A_233 = arith.constant 0 : i32
      %add3A_234 = arith.addi %mul3A_232, %add3A_233 : i32
      %lt3A_235 = arith.constant 50 : i32
      %lt3A_236 = arith.cmpi slt, %add3A_234, %lt3A_235 : i32
      %convert_element_type3A_237 = arith.extui %lt3A_236 : i1 to i32
      %cond3A_238 = arith.constant 0 : i32
      %cond3A_239 = arith.cmpi ne, %convert_element_type3A_237, %cond3A_238 : i32
      scf.if %cond3A_239 {
        %dma_wait3A_294 = arith.constant 0 : i32
        %dma_wait3A_295 = arith.constant 0 : i32
        %dma_wait3A_296 = arith.constant 0 : i32
        %dma_wait3A_297 = tpu.memref_slice %arg6[%dma_wait3A_294, %dma_wait3A_295, %dma_wait3A_296] : memref<7x128x128xf32, #tpu.memory_space<vmem>> -> memref<1x128x128xf32, #tpu.memory_space<vmem>>
        %dma_wait3A_298 = tpu.memref_squeeze %dma_wait3A_297 : memref<1x128x128xf32, #tpu.memory_space<vmem>> -> memref<128x128xf32, #tpu.memory_space<vmem>>
        %dma_wait3A_299 = arith.constant 0 : i32
        %dma_wait3A_300 = tpu.memref_slice %arg5[%add3A_234, %dma_wait3A_299] : memref<50x128xi32, #tpu.memory_space<vmem>> -> memref<1x128xi32, #tpu.memory_space<vmem>>
        %dma_wait3A_301 = tpu.memref_squeeze %dma_wait3A_300 : memref<1x128xi32, #tpu.memory_space<vmem>> -> memref<128xi32, #tpu.memory_space<vmem>>
        %dma_wait3A_302 = arith.constant 0 : i32
        %dma_wait3A_303 = arith.constant 0 : i32
        %dma_wait3A_304 = tpu.memref_slice %arg7[%dma_wait3A_302, %dma_wait3A_303] : memref<1002x128xf32, #tpu.memory_space<vmem_shared>> -> memref<1002x128xf32, #tpu.memory_space<vmem_shared>>
        tpu.wait_indirect_dma semaphore(%arg8 : memref<!tpu.dma_semaphore, #tpu.memory_space<semaphore_mem>>) src(%dma_wait3A_304 : memref<1002x128xf32, #tpu.memory_space<vmem_shared>>) dst(%dma_wait3A_298 : memref<128x128xf32, #tpu.memory_space<vmem>>)
        %mul3A_305 = arith.constant 128 : i32
        %mul3A_306 = arith.muli %add3A_234, %mul3A_305 : i32
        %add3A_307 = arith.addi %mul3A_2, %mul3A_306 : i32
        %dma_start3A = arith.constant 0 : i32
        %dma_start3A_308 = arith.constant 0 : i32
        %dma_start3A_309 = arith.constant 0 : i32
        %dma_start3A_310 = tpu.memref_slice %arg6[%dma_start3A, %dma_start3A_308, %dma_start3A_309] : memref<7x128x128xf32, #tpu.memory_space<vmem>> -> memref<1x128x128xf32, #tpu.memory_space<vmem>>
        %dma_start3A_311 = tpu.memref_squeeze %dma_start3A_310 : memref<1x128x128xf32, #tpu.memory_space<vmem>> -> memref<128x128xf32, #tpu.memory_space<vmem>>
        %dma_start3A_312 = arith.constant 0 : i32
        %dma_start3A_313 = tpu.memref_slice %arg4[%add3A_307, %dma_start3A_312] : memref<204800x128xf32, #tpu.memory_space<hbm>> -> memref<128x128xf32, #tpu.memory_space<hbm>>
        %dma_start3A_314 = arith.constant 0 : i32
        %dma_start3A_315 = tpu.memref_slice %arg4[%add3A_307, %dma_start3A_314] : memref<204800x128xf32, #tpu.memory_space<hbm>> -> memref<128x128xf32, #tpu.memory_space<hbm>>
        %dma_start3A_316 = arith.constant 0 : i32
        %dma_start3A_317 = arith.constant 0 : i32
        %dma_start3A_318 = tpu.memref_slice %arg6[%dma_start3A, %dma_start3A_316, %dma_start3A_317] : memref<7x128x128xf32, #tpu.memory_space<vmem>> -> memref<1x128x128xf32, #tpu.memory_space<vmem>>
        %dma_start3A_319 = tpu.memref_squeeze %dma_start3A_318 : memref<1x128x128xf32, #tpu.memory_space<vmem>> -> memref<128x128xf32, #tpu.memory_space<vmem>>
        tpu.enqueue_dma source(%dma_start3A_319 : memref<128x128xf32, #tpu.memory_space<vmem>>) target(%dma_start3A_315 : memref<128x128xf32, #tpu.memory_space<hbm>>) target_semaphore(%arg15 : memref<!tpu.dma_semaphore, #tpu.memory_space<semaphore_mem>>)
      } else {
      }
      %mul3A_240 = arith.constant 7 : i32
      %mul3A_241 = arith.muli %scan3A_114, %mul3A_240 : i32
      %add3A_242 = arith.constant 1 : i32
      %add3A_243 = arith.addi %mul3A_241, %add3A_242 : i32
      %lt3A_244 = arith.constant 50 : i32
      %lt3A_245 = arith.cmpi slt, %add3A_243, %lt3A_244 : i32
      %convert_element_type3A_246 = arith.extui %lt3A_245 : i1 to i32
      %cond3A_247 = arith.constant 0 : i32
      %cond3A_248 = arith.cmpi ne, %convert_element_type3A_246, %cond3A_247 : i32
      scf.if %cond3A_248 {
        %dma_wait3A_294 = arith.constant 1 : i32
        %dma_wait3A_295 = arith.constant 0 : i32
        %dma_wait3A_296 = arith.constant 0 : i32
        %dma_wait3A_297 = tpu.memref_slice %arg6[%dma_wait3A_294, %dma_wait3A_295, %dma_wait3A_296] : memref<7x128x128xf32, #tpu.memory_space<vmem>> -> memref<1x128x128xf32, #tpu.memory_space<vmem>>
        %dma_wait3A_298 = tpu.memref_squeeze %dma_wait3A_297 : memref<1x128x128xf32, #tpu.memory_space<vmem>> -> memref<128x128xf32, #tpu.memory_space<vmem>>
        %dma_wait3A_299 = arith.constant 0 : i32
        %dma_wait3A_300 = tpu.memref_slice %arg5[%add3A_243, %dma_wait3A_299] : memref<50x128xi32, #tpu.memory_space<vmem>> -> memref<1x128xi32, #tpu.memory_space<vmem>>
        %dma_wait3A_301 = tpu.memref_squeeze %dma_wait3A_300 : memref<1x128xi32, #tpu.memory_space<vmem>> -> memref<128xi32, #tpu.memory_space<vmem>>
        %dma_wait3A_302 = arith.constant 0 : i32
        %dma_wait3A_303 = arith.constant 0 : i32
        %dma_wait3A_304 = tpu.memref_slice %arg7[%dma_wait3A_302, %dma_wait3A_303] : memref<1002x128xf32, #tpu.memory_space<vmem_shared>> -> memref<1002x128xf32, #tpu.memory_space<vmem_shared>>
        tpu.wait_indirect_dma semaphore(%arg9 : memref<!tpu.dma_semaphore, #tpu.memory_space<semaphore_mem>>) src(%dma_wait3A_304 : memref<1002x128xf32, #tpu.memory_space<vmem_shared>>) dst(%dma_wait3A_298 : memref<128x128xf32, #tpu.memory_space<vmem>>)
        %mul3A_305 = arith.constant 128 : i32
        %mul3A_306 = arith.muli %add3A_243, %mul3A_305 : i32
        %add3A_307 = arith.addi %mul3A_2, %mul3A_306 : i32
        %dma_start3A = arith.constant 1 : i32
        %dma_start3A_308 = arith.constant 0 : i32
        %dma_start3A_309 = arith.constant 0 : i32
        %dma_start3A_310 = tpu.memref_slice %arg6[%dma_start3A, %dma_start3A_308, %dma_start3A_309] : memref<7x128x128xf32, #tpu.memory_space<vmem>> -> memref<1x128x128xf32, #tpu.memory_space<vmem>>
        %dma_start3A_311 = tpu.memref_squeeze %dma_start3A_310 : memref<1x128x128xf32, #tpu.memory_space<vmem>> -> memref<128x128xf32, #tpu.memory_space<vmem>>
        %dma_start3A_312 = arith.constant 0 : i32
        %dma_start3A_313 = tpu.memref_slice %arg4[%add3A_307, %dma_start3A_312] : memref<204800x128xf32, #tpu.memory_space<hbm>> -> memref<128x128xf32, #tpu.memory_space<hbm>>
        %dma_start3A_314 = arith.constant 0 : i32
        %dma_start3A_315 = tpu.memref_slice %arg4[%add3A_307, %dma_start3A_314] : memref<204800x128xf32, #tpu.memory_space<hbm>> -> memref<128x128xf32, #tpu.memory_space<hbm>>
        %dma_start3A_316 = arith.constant 0 : i32
        %dma_start3A_317 = arith.constant 0 : i32
        %dma_start3A_318 = tpu.memref_slice %arg6[%dma_start3A, %dma_start3A_316, %dma_start3A_317] : memref<7x128x128xf32, #tpu.memory_space<vmem>> -> memref<1x128x128xf32, #tpu.memory_space<vmem>>
        %dma_start3A_319 = tpu.memref_squeeze %dma_start3A_318 : memref<1x128x128xf32, #tpu.memory_space<vmem>> -> memref<128x128xf32, #tpu.memory_space<vmem>>
        tpu.enqueue_dma source(%dma_start3A_319 : memref<128x128xf32, #tpu.memory_space<vmem>>) target(%dma_start3A_315 : memref<128x128xf32, #tpu.memory_space<hbm>>) target_semaphore(%arg16 : memref<!tpu.dma_semaphore, #tpu.memory_space<semaphore_mem>>)
      } else {
      }
      %mul3A_249 = arith.constant 7 : i32
      %mul3A_250 = arith.muli %scan3A_114, %mul3A_249 : i32
      %add3A_251 = arith.constant 2 : i32
      %add3A_252 = arith.addi %mul3A_250, %add3A_251 : i32
      %lt3A_253 = arith.constant 50 : i32
      %lt3A_254 = arith.cmpi slt, %add3A_252, %lt3A_253 : i32
      %convert_element_type3A_255 = arith.extui %lt3A_254 : i1 to i32
      %cond3A_256 = arith.constant 0 : i32
      %cond3A_257 = arith.cmpi ne, %convert_element_type3A_255, %cond3A_256 : i32
      scf.if %cond3A_257 {
        %dma_wait3A_294 = arith.constant 2 : i32
        %dma_wait3A_295 = arith.constant 0 : i32
        %dma_wait3A_296 = arith.constant 0 : i32
        %dma_wait3A_297 = tpu.memref_slice %arg6[%dma_wait3A_294, %dma_wait3A_295, %dma_wait3A_296] : memref<7x128x128xf32, #tpu.memory_space<vmem>> -> memref<1x128x128xf32, #tpu.memory_space<vmem>>
        %dma_wait3A_298 = tpu.memref_squeeze %dma_wait3A_297 : memref<1x128x128xf32, #tpu.memory_space<vmem>> -> memref<128x128xf32, #tpu.memory_space<vmem>>
        %dma_wait3A_299 = arith.constant 0 : i32
        %dma_wait3A_300 = tpu.memref_slice %arg5[%add3A_252, %dma_wait3A_299] : memref<50x128xi32, #tpu.memory_space<vmem>> -> memref<1x128xi32, #tpu.memory_space<vmem>>
        %dma_wait3A_301 = tpu.memref_squeeze %dma_wait3A_300 : memref<1x128xi32, #tpu.memory_space<vmem>> -> memref<128xi32, #tpu.memory_space<vmem>>
        %dma_wait3A_302 = arith.constant 0 : i32
        %dma_wait3A_303 = arith.constant 0 : i32
        %dma_wait3A_304 = tpu.memref_slice %arg7[%dma_wait3A_302, %dma_wait3A_303] : memref<1002x128xf32, #tpu.memory_space<vmem_shared>> -> memref<1002x128xf32, #tpu.memory_space<vmem_shared>>
        tpu.wait_indirect_dma semaphore(%arg10 : memref<!tpu.dma_semaphore, #tpu.memory_space<semaphore_mem>>) src(%dma_wait3A_304 : memref<1002x128xf32, #tpu.memory_space<vmem_shared>>) dst(%dma_wait3A_298 : memref<128x128xf32, #tpu.memory_space<vmem>>)
        %mul3A_305 = arith.constant 128 : i32
        %mul3A_306 = arith.muli %add3A_252, %mul3A_305 : i32
        %add3A_307 = arith.addi %mul3A_2, %mul3A_306 : i32
        %dma_start3A = arith.constant 2 : i32
        %dma_start3A_308 = arith.constant 0 : i32
        %dma_start3A_309 = arith.constant 0 : i32
        %dma_start3A_310 = tpu.memref_slice %arg6[%dma_start3A, %dma_start3A_308, %dma_start3A_309] : memref<7x128x128xf32, #tpu.memory_space<vmem>> -> memref<1x128x128xf32, #tpu.memory_space<vmem>>
        %dma_start3A_311 = tpu.memref_squeeze %dma_start3A_310 : memref<1x128x128xf32, #tpu.memory_space<vmem>> -> memref<128x128xf32, #tpu.memory_space<vmem>>
        %dma_start3A_312 = arith.constant 0 : i32
        %dma_start3A_313 = tpu.memref_slice %arg4[%add3A_307, %dma_start3A_312] : memref<204800x128xf32, #tpu.memory_space<hbm>> -> memref<128x128xf32, #tpu.memory_space<hbm>>
        %dma_start3A_314 = arith.constant 0 : i32
        %dma_start3A_315 = tpu.memref_slice %arg4[%add3A_307, %dma_start3A_314] : memref<204800x128xf32, #tpu.memory_space<hbm>> -> memref<128x128xf32, #tpu.memory_space<hbm>>
        %dma_start3A_316 = arith.constant 0 : i32
        %dma_start3A_317 = arith.constant 0 : i32
        %dma_start3A_318 = tpu.memref_slice %arg6[%dma_start3A, %dma_start3A_316, %dma_start3A_317] : memref<7x128x128xf32, #tpu.memory_space<vmem>> -> memref<1x128x128xf32, #tpu.memory_space<vmem>>
        %dma_start3A_319 = tpu.memref_squeeze %dma_start3A_318 : memref<1x128x128xf32, #tpu.memory_space<vmem>> -> memref<128x128xf32, #tpu.memory_space<vmem>>
        tpu.enqueue_dma source(%dma_start3A_319 : memref<128x128xf32, #tpu.memory_space<vmem>>) target(%dma_start3A_315 : memref<128x128xf32, #tpu.memory_space<hbm>>) target_semaphore(%arg17 : memref<!tpu.dma_semaphore, #tpu.memory_space<semaphore_mem>>)
      } else {
      }
      %mul3A_258 = arith.constant 7 : i32
      %mul3A_259 = arith.muli %scan3A_114, %mul3A_258 : i32
      %add3A_260 = arith.constant 3 : i32
      %add3A_261 = arith.addi %mul3A_259, %add3A_260 : i32
      %lt3A_262 = arith.constant 50 : i32
      %lt3A_263 = arith.cmpi slt, %add3A_261, %lt3A_262 : i32
      %convert_element_type3A_264 = arith.extui %lt3A_263 : i1 to i32
      %cond3A_265 = arith.constant 0 : i32
      %cond3A_266 = arith.cmpi ne, %convert_element_type3A_264, %cond3A_265 : i32
      scf.if %cond3A_266 {
        %dma_wait3A_294 = arith.constant 3 : i32
        %dma_wait3A_295 = arith.constant 0 : i32
        %dma_wait3A_296 = arith.constant 0 : i32
        %dma_wait3A_297 = tpu.memref_slice %arg6[%dma_wait3A_294, %dma_wait3A_295, %dma_wait3A_296] : memref<7x128x128xf32, #tpu.memory_space<vmem>> -> memref<1x128x128xf32, #tpu.memory_space<vmem>>
        %dma_wait3A_298 = tpu.memref_squeeze %dma_wait3A_297 : memref<1x128x128xf32, #tpu.memory_space<vmem>> -> memref<128x128xf32, #tpu.memory_space<vmem>>
        %dma_wait3A_299 = arith.constant 0 : i32
        %dma_wait3A_300 = tpu.memref_slice %arg5[%add3A_261, %dma_wait3A_299] : memref<50x128xi32, #tpu.memory_space<vmem>> -> memref<1x128xi32, #tpu.memory_space<vmem>>
        %dma_wait3A_301 = tpu.memref_squeeze %dma_wait3A_300 : memref<1x128xi32, #tpu.memory_space<vmem>> -> memref<128xi32, #tpu.memory_space<vmem>>
        %dma_wait3A_302 = arith.constant 0 : i32
        %dma_wait3A_303 = arith.constant 0 : i32
        %dma_wait3A_304 = tpu.memref_slice %arg7[%dma_wait3A_302, %dma_wait3A_303] : memref<1002x128xf32, #tpu.memory_space<vmem_shared>> -> memref<1002x128xf32, #tpu.memory_space<vmem_shared>>
        tpu.wait_indirect_dma semaphore(%arg11 : memref<!tpu.dma_semaphore, #tpu.memory_space<semaphore_mem>>) src(%dma_wait3A_304 : memref<1002x128xf32, #tpu.memory_space<vmem_shared>>) dst(%dma_wait3A_298 : memref<128x128xf32, #tpu.memory_space<vmem>>)
        %mul3A_305 = arith.constant 128 : i32
        %mul3A_306 = arith.muli %add3A_261, %mul3A_305 : i32
        %add3A_307 = arith.addi %mul3A_2, %mul3A_306 : i32
        %dma_start3A = arith.constant 3 : i32
        %dma_start3A_308 = arith.constant 0 : i32
        %dma_start3A_309 = arith.constant 0 : i32
        %dma_start3A_310 = tpu.memref_slice %arg6[%dma_start3A, %dma_start3A_308, %dma_start3A_309] : memref<7x128x128xf32, #tpu.memory_space<vmem>> -> memref<1x128x128xf32, #tpu.memory_space<vmem>>
        %dma_start3A_311 = tpu.memref_squeeze %dma_start3A_310 : memref<1x128x128xf32, #tpu.memory_space<vmem>> -> memref<128x128xf32, #tpu.memory_space<vmem>>
        %dma_start3A_312 = arith.constant 0 : i32
        %dma_start3A_313 = tpu.memref_slice %arg4[%add3A_307, %dma_start3A_312] : memref<204800x128xf32, #tpu.memory_space<hbm>> -> memref<128x128xf32, #tpu.memory_space<hbm>>
        %dma_start3A_314 = arith.constant 0 : i32
        %dma_start3A_315 = tpu.memref_slice %arg4[%add3A_307, %dma_start3A_314] : memref<204800x128xf32, #tpu.memory_space<hbm>> -> memref<128x128xf32, #tpu.memory_space<hbm>>
        %dma_start3A_316 = arith.constant 0 : i32
        %dma_start3A_317 = arith.constant 0 : i32
        %dma_start3A_318 = tpu.memref_slice %arg6[%dma_start3A, %dma_start3A_316, %dma_start3A_317] : memref<7x128x128xf32, #tpu.memory_space<vmem>> -> memref<1x128x128xf32, #tpu.memory_space<vmem>>
        %dma_start3A_319 = tpu.memref_squeeze %dma_start3A_318 : memref<1x128x128xf32, #tpu.memory_space<vmem>> -> memref<128x128xf32, #tpu.memory_space<vmem>>
        tpu.enqueue_dma source(%dma_start3A_319 : memref<128x128xf32, #tpu.memory_space<vmem>>) target(%dma_start3A_315 : memref<128x128xf32, #tpu.memory_space<hbm>>) target_semaphore(%arg18 : memref<!tpu.dma_semaphore, #tpu.memory_space<semaphore_mem>>)
      } else {
      }
      %mul3A_267 = arith.constant 7 : i32
      %mul3A_268 = arith.muli %scan3A_114, %mul3A_267 : i32
      %add3A_269 = arith.constant 4 : i32
      %add3A_270 = arith.addi %mul3A_268, %add3A_269 : i32
      %lt3A_271 = arith.constant 50 : i32
      %lt3A_272 = arith.cmpi slt, %add3A_270, %lt3A_271 : i32
      %convert_element_type3A_273 = arith.extui %lt3A_272 : i1 to i32
      %cond3A_274 = arith.constant 0 : i32
      %cond3A_275 = arith.cmpi ne, %convert_element_type3A_273, %cond3A_274 : i32
      scf.if %cond3A_275 {
        %dma_wait3A_294 = arith.constant 4 : i32
        %dma_wait3A_295 = arith.constant 0 : i32
        %dma_wait3A_296 = arith.constant 0 : i32
        %dma_wait3A_297 = tpu.memref_slice %arg6[%dma_wait3A_294, %dma_wait3A_295, %dma_wait3A_296] : memref<7x128x128xf32, #tpu.memory_space<vmem>> -> memref<1x128x128xf32, #tpu.memory_space<vmem>>
        %dma_wait3A_298 = tpu.memref_squeeze %dma_wait3A_297 : memref<1x128x128xf32, #tpu.memory_space<vmem>> -> memref<128x128xf32, #tpu.memory_space<vmem>>
        %dma_wait3A_299 = arith.constant 0 : i32
        %dma_wait3A_300 = tpu.memref_slice %arg5[%add3A_270, %dma_wait3A_299] : memref<50x128xi32, #tpu.memory_space<vmem>> -> memref<1x128xi32, #tpu.memory_space<vmem>>
        %dma_wait3A_301 = tpu.memref_squeeze %dma_wait3A_300 : memref<1x128xi32, #tpu.memory_space<vmem>> -> memref<128xi32, #tpu.memory_space<vmem>>
        %dma_wait3A_302 = arith.constant 0 : i32
        %dma_wait3A_303 = arith.constant 0 : i32
        %dma_wait3A_304 = tpu.memref_slice %arg7[%dma_wait3A_302, %dma_wait3A_303] : memref<1002x128xf32, #tpu.memory_space<vmem_shared>> -> memref<1002x128xf32, #tpu.memory_space<vmem_shared>>
        tpu.wait_indirect_dma semaphore(%arg12 : memref<!tpu.dma_semaphore, #tpu.memory_space<semaphore_mem>>) src(%dma_wait3A_304 : memref<1002x128xf32, #tpu.memory_space<vmem_shared>>) dst(%dma_wait3A_298 : memref<128x128xf32, #tpu.memory_space<vmem>>)
        %mul3A_305 = arith.constant 128 : i32
        %mul3A_306 = arith.muli %add3A_270, %mul3A_305 : i32
        %add3A_307 = arith.addi %mul3A_2, %mul3A_306 : i32
        %dma_start3A = arith.constant 4 : i32
        %dma_start3A_308 = arith.constant 0 : i32
        %dma_start3A_309 = arith.constant 0 : i32
        %dma_start3A_310 = tpu.memref_slice %arg6[%dma_start3A, %dma_start3A_308, %dma_start3A_309] : memref<7x128x128xf32, #tpu.memory_space<vmem>> -> memref<1x128x128xf32, #tpu.memory_space<vmem>>
        %dma_start3A_311 = tpu.memref_squeeze %dma_start3A_310 : memref<1x128x128xf32, #tpu.memory_space<vmem>> -> memref<128x128xf32, #tpu.memory_space<vmem>>
        %dma_start3A_312 = arith.constant 0 : i32
        %dma_start3A_313 = tpu.memref_slice %arg4[%add3A_307, %dma_start3A_312] : memref<204800x128xf32, #tpu.memory_space<hbm>> -> memref<128x128xf32, #tpu.memory_space<hbm>>
        %dma_start3A_314 = arith.constant 0 : i32
        %dma_start3A_315 = tpu.memref_slice %arg4[%add3A_307, %dma_start3A_314] : memref<204800x128xf32, #tpu.memory_space<hbm>> -> memref<128x128xf32, #tpu.memory_space<hbm>>
        %dma_start3A_316 = arith.constant 0 : i32
        %dma_start3A_317 = arith.constant 0 : i32
        %dma_start3A_318 = tpu.memref_slice %arg6[%dma_start3A, %dma_start3A_316, %dma_start3A_317] : memref<7x128x128xf32, #tpu.memory_space<vmem>> -> memref<1x128x128xf32, #tpu.memory_space<vmem>>
        %dma_start3A_319 = tpu.memref_squeeze %dma_start3A_318 : memref<1x128x128xf32, #tpu.memory_space<vmem>> -> memref<128x128xf32, #tpu.memory_space<vmem>>
        tpu.enqueue_dma source(%dma_start3A_319 : memref<128x128xf32, #tpu.memory_space<vmem>>) target(%dma_start3A_315 : memref<128x128xf32, #tpu.memory_space<hbm>>) target_semaphore(%arg19 : memref<!tpu.dma_semaphore, #tpu.memory_space<semaphore_mem>>)
      } else {
      }
      %mul3A_276 = arith.constant 7 : i32
      %mul3A_277 = arith.muli %scan3A_114, %mul3A_276 : i32
      %add3A_278 = arith.constant 5 : i32
      %add3A_279 = arith.addi %mul3A_277, %add3A_278 : i32
      %lt3A_280 = arith.constant 50 : i32
      %lt3A_281 = arith.cmpi slt, %add3A_279, %lt3A_280 : i32
      %convert_element_type3A_282 = arith.extui %lt3A_281 : i1 to i32
      %cond3A_283 = arith.constant 0 : i32
      %cond3A_284 = arith.cmpi ne, %convert_element_type3A_282, %cond3A_283 : i32
      scf.if %cond3A_284 {
        %dma_wait3A_294 = arith.constant 5 : i32
        %dma_wait3A_295 = arith.constant 0 : i32
        %dma_wait3A_296 = arith.constant 0 : i32
        %dma_wait3A_297 = tpu.memref_slice %arg6[%dma_wait3A_294, %dma_wait3A_295, %dma_wait3A_296] : memref<7x128x128xf32, #tpu.memory_space<vmem>> -> memref<1x128x128xf32, #tpu.memory_space<vmem>>
        %dma_wait3A_298 = tpu.memref_squeeze %dma_wait3A_297 : memref<1x128x128xf32, #tpu.memory_space<vmem>> -> memref<128x128xf32, #tpu.memory_space<vmem>>
        %dma_wait3A_299 = arith.constant 0 : i32
        %dma_wait3A_300 = tpu.memref_slice %arg5[%add3A_279, %dma_wait3A_299] : memref<50x128xi32, #tpu.memory_space<vmem>> -> memref<1x128xi32, #tpu.memory_space<vmem>>
        %dma_wait3A_301 = tpu.memref_squeeze %dma_wait3A_300 : memref<1x128xi32, #tpu.memory_space<vmem>> -> memref<128xi32, #tpu.memory_space<vmem>>
        %dma_wait3A_302 = arith.constant 0 : i32
        %dma_wait3A_303 = arith.constant 0 : i32
        %dma_wait3A_304 = tpu.memref_slice %arg2[%dma_wait3A_302, %dma_wait3A_303] : memref<1002x128xf32, #tpu.memory_space<hbm>> -> memref<1002x128xf32, #tpu.memory_space<hbm>>
        tpu.wait_indirect_dma semaphore(%arg13 : memref<!tpu.dma_semaphore, #tpu.memory_space<semaphore_mem>>) src(%dma_wait3A_304 : memref<1002x128xf32, #tpu.memory_space<hbm>>) dst(%dma_wait3A_298 : memref<128x128xf32, #tpu.memory_space<vmem>>)
        %mul3A_305 = arith.constant 128 : i32
        %mul3A_306 = arith.muli %add3A_279, %mul3A_305 : i32
        %add3A_307 = arith.addi %mul3A_2, %mul3A_306 : i32
        %dma_start3A = arith.constant 5 : i32
        %dma_start3A_308 = arith.constant 0 : i32
        %dma_start3A_309 = arith.constant 0 : i32
        %dma_start3A_310 = tpu.memref_slice %arg6[%dma_start3A, %dma_start3A_308, %dma_start3A_309] : memref<7x128x128xf32, #tpu.memory_space<vmem>> -> memref<1x128x128xf32, #tpu.memory_space<vmem>>
        %dma_start3A_311 = tpu.memref_squeeze %dma_start3A_310 : memref<1x128x128xf32, #tpu.memory_space<vmem>> -> memref<128x128xf32, #tpu.memory_space<vmem>>
        %dma_start3A_312 = arith.constant 0 : i32
        %dma_start3A_313 = tpu.memref_slice %arg4[%add3A_307, %dma_start3A_312] : memref<204800x128xf32, #tpu.memory_space<hbm>> -> memref<128x128xf32, #tpu.memory_space<hbm>>
        %dma_start3A_314 = arith.constant 0 : i32
        %dma_start3A_315 = tpu.memref_slice %arg4[%add3A_307, %dma_start3A_314] : memref<204800x128xf32, #tpu.memory_space<hbm>> -> memref<128x128xf32, #tpu.memory_space<hbm>>
        %dma_start3A_316 = arith.constant 0 : i32
        %dma_start3A_317 = arith.constant 0 : i32
        %dma_start3A_318 = tpu.memref_slice %arg6[%dma_start3A, %dma_start3A_316, %dma_start3A_317] : memref<7x128x128xf32, #tpu.memory_space<vmem>> -> memref<1x128x128xf32, #tpu.memory_space<vmem>>
        %dma_start3A_319 = tpu.memref_squeeze %dma_start3A_318 : memref<1x128x128xf32, #tpu.memory_space<vmem>> -> memref<128x128xf32, #tpu.memory_space<vmem>>
        tpu.enqueue_dma source(%dma_start3A_319 : memref<128x128xf32, #tpu.memory_space<vmem>>) target(%dma_start3A_315 : memref<128x128xf32, #tpu.memory_space<hbm>>) target_semaphore(%arg20 : memref<!tpu.dma_semaphore, #tpu.memory_space<semaphore_mem>>)
      } else {
      }
      %mul3A_285 = arith.constant 7 : i32
      %mul3A_286 = arith.muli %scan3A_114, %mul3A_285 : i32
      %add3A_287 = arith.constant 6 : i32
      %add3A_288 = arith.addi %mul3A_286, %add3A_287 : i32
      %lt3A_289 = arith.constant 50 : i32
      %lt3A_290 = arith.cmpi slt, %add3A_288, %lt3A_289 : i32
      %convert_element_type3A_291 = arith.extui %lt3A_290 : i1 to i32
      %cond3A_292 = arith.constant 0 : i32
      %cond3A_293 = arith.cmpi ne, %convert_element_type3A_291, %cond3A_292 : i32
      scf.if %cond3A_293 {
        %dma_wait3A_294 = arith.constant 6 : i32
        %dma_wait3A_295 = arith.constant 0 : i32
        %dma_wait3A_296 = arith.constant 0 : i32
        %dma_wait3A_297 = tpu.memref_slice %arg6[%dma_wait3A_294, %dma_wait3A_295, %dma_wait3A_296] : memref<7x128x128xf32, #tpu.memory_space<vmem>> -> memref<1x128x128xf32, #tpu.memory_space<vmem>>
        %dma_wait3A_298 = tpu.memref_squeeze %dma_wait3A_297 : memref<1x128x128xf32, #tpu.memory_space<vmem>> -> memref<128x128xf32, #tpu.memory_space<vmem>>
        %dma_wait3A_299 = arith.constant 0 : i32
        %dma_wait3A_300 = tpu.memref_slice %arg5[%add3A_288, %dma_wait3A_299] : memref<50x128xi32, #tpu.memory_space<vmem>> -> memref<1x128xi32, #tpu.memory_space<vmem>>
        %dma_wait3A_301 = tpu.memref_squeeze %dma_wait3A_300 : memref<1x128xi32, #tpu.memory_space<vmem>> -> memref<128xi32, #tpu.memory_space<vmem>>
        %dma_wait3A_302 = arith.constant 0 : i32
        %dma_wait3A_303 = arith.constant 0 : i32
        %dma_wait3A_304 = tpu.memref_slice %arg2[%dma_wait3A_302, %dma_wait3A_303] : memref<1002x128xf32, #tpu.memory_space<hbm>> -> memref<1002x128xf32, #tpu.memory_space<hbm>>
        tpu.wait_indirect_dma semaphore(%arg14 : memref<!tpu.dma_semaphore, #tpu.memory_space<semaphore_mem>>) src(%dma_wait3A_304 : memref<1002x128xf32, #tpu.memory_space<hbm>>) dst(%dma_wait3A_298 : memref<128x128xf32, #tpu.memory_space<vmem>>)
        %mul3A_305 = arith.constant 128 : i32
        %mul3A_306 = arith.muli %add3A_288, %mul3A_305 : i32
        %add3A_307 = arith.addi %mul3A_2, %mul3A_306 : i32
        %dma_start3A = arith.constant 6 : i32
        %dma_start3A_308 = arith.constant 0 : i32
        %dma_start3A_309 = arith.constant 0 : i32
        %dma_start3A_310 = tpu.memref_slice %arg6[%dma_start3A, %dma_start3A_308, %dma_start3A_309] : memref<7x128x128xf32, #tpu.memory_space<vmem>> -> memref<1x128x128xf32, #tpu.memory_space<vmem>>
        %dma_start3A_311 = tpu.memref_squeeze %dma_start3A_310 : memref<1x128x128xf32, #tpu.memory_space<vmem>> -> memref<128x128xf32, #tpu.memory_space<vmem>>
        %dma_start3A_312 = arith.constant 0 : i32
        %dma_start3A_313 = tpu.memref_slice %arg4[%add3A_307, %dma_start3A_312] : memref<204800x128xf32, #tpu.memory_space<hbm>> -> memref<128x128xf32, #tpu.memory_space<hbm>>
        %dma_start3A_314 = arith.constant 0 : i32
        %dma_start3A_315 = tpu.memref_slice %arg4[%add3A_307, %dma_start3A_314] : memref<204800x128xf32, #tpu.memory_space<hbm>> -> memref<128x128xf32, #tpu.memory_space<hbm>>
        %dma_start3A_316 = arith.constant 0 : i32
        %dma_start3A_317 = arith.constant 0 : i32
        %dma_start3A_318 = tpu.memref_slice %arg6[%dma_start3A, %dma_start3A_316, %dma_start3A_317] : memref<7x128x128xf32, #tpu.memory_space<vmem>> -> memref<1x128x128xf32, #tpu.memory_space<vmem>>
        %dma_start3A_319 = tpu.memref_squeeze %dma_start3A_318 : memref<1x128x128xf32, #tpu.memory_space<vmem>> -> memref<128x128xf32, #tpu.memory_space<vmem>>
        tpu.enqueue_dma source(%dma_start3A_319 : memref<128x128xf32, #tpu.memory_space<vmem>>) target(%dma_start3A_315 : memref<128x128xf32, #tpu.memory_space<hbm>>) target_semaphore(%arg21 : memref<!tpu.dma_semaphore, #tpu.memory_space<semaphore_mem>>)
      } else {
      }
    }
    %scan3A_9 = arith.constant 8 : i32
    %dma_wait3A = arith.constant 0 : i32
    %dma_wait3A_10 = arith.constant 0 : i32
    %dma_wait3A_11 = arith.constant 0 : i32
    %dma_wait3A_12 = tpu.memref_slice %arg6[%dma_wait3A, %dma_wait3A_10, %dma_wait3A_11] : memref<7x128x128xf32, #tpu.memory_space<vmem>> -> memref<1x128x128xf32, #tpu.memory_space<vmem>>
    %dma_wait3A_13 = tpu.memref_squeeze %dma_wait3A_12 : memref<1x128x128xf32, #tpu.memory_space<vmem>> -> memref<128x128xf32, #tpu.memory_space<vmem>>
    %dma_wait3A_14 = arith.constant 0 : i32
    %dma_wait3A_15 = arith.constant 0 : i32
    %dma_wait3A_16 = tpu.memref_slice %arg4[%dma_wait3A_14, %dma_wait3A_15] : memref<204800x128xf32, #tpu.memory_space<hbm>> -> memref<128x128xf32, #tpu.memory_space<hbm>>
    %dma_wait3A_17 = arith.constant 0 : i32
    %dma_wait3A_18 = arith.constant 0 : i32
    %dma_wait3A_19 = tpu.memref_slice %arg4[%dma_wait3A_17, %dma_wait3A_18] : memref<204800x128xf32, #tpu.memory_space<hbm>> -> memref<128x128xf32, #tpu.memory_space<hbm>>
    %dma_wait3A_20 = arith.constant 0 : i32
    %dma_wait3A_21 = arith.constant 0 : i32
    %dma_wait3A_22 = tpu.memref_slice %arg6[%dma_wait3A, %dma_wait3A_20, %dma_wait3A_21] : memref<7x128x128xf32, #tpu.memory_space<vmem>> -> memref<1x128x128xf32, #tpu.memory_space<vmem>>
    %dma_wait3A_23 = tpu.memref_squeeze %dma_wait3A_22 : memref<1x128x128xf32, #tpu.memory_space<vmem>> -> memref<128x128xf32, #tpu.memory_space<vmem>>
    tpu.wait_dma2 semaphore(%arg15 : memref<!tpu.dma_semaphore, #tpu.memory_space<semaphore_mem>>) src(%dma_wait3A_23 : memref<128x128xf32, #tpu.memory_space<vmem>>) dst(%dma_wait3A_19 : memref<128x128xf32, #tpu.memory_space<hbm>>)
    %dma_wait3A_24 = arith.constant 1 : i32
    %dma_wait3A_25 = arith.constant 0 : i32
    %dma_wait3A_26 = arith.constant 0 : i32
    %dma_wait3A_27 = tpu.memref_slice %arg6[%dma_wait3A_24, %dma_wait3A_25, %dma_wait3A_26] : memref<7x128x128xf32, #tpu.memory_space<vmem>> -> memref<1x128x128xf32, #tpu.memory_space<vmem>>
    %dma_wait3A_28 = tpu.memref_squeeze %dma_wait3A_27 : memref<1x128x128xf32, #tpu.memory_space<vmem>> -> memref<128x128xf32, #tpu.memory_space<vmem>>
    %dma_wait3A_29 = arith.constant 0 : i32
    %dma_wait3A_30 = arith.constant 0 : i32
    %dma_wait3A_31 = tpu.memref_slice %arg4[%dma_wait3A_29, %dma_wait3A_30] : memref<204800x128xf32, #tpu.memory_space<hbm>> -> memref<128x128xf32, #tpu.memory_space<hbm>>
    %dma_wait3A_32 = arith.constant 0 : i32
    %dma_wait3A_33 = arith.constant 0 : i32
    %dma_wait3A_34 = tpu.memref_slice %arg4[%dma_wait3A_32, %dma_wait3A_33] : memref<204800x128xf32, #tpu.memory_space<hbm>> -> memref<128x128xf32, #tpu.memory_space<hbm>>
    %dma_wait3A_35 = arith.constant 0 : i32
    %dma_wait3A_36 = arith.constant 0 : i32
    %dma_wait3A_37 = tpu.memref_slice %arg6[%dma_wait3A_24, %dma_wait3A_35, %dma_wait3A_36] : memref<7x128x128xf32, #tpu.memory_space<vmem>> -> memref<1x128x128xf32, #tpu.memory_space<vmem>>
    %dma_wait3A_38 = tpu.memref_squeeze %dma_wait3A_37 : memref<1x128x128xf32, #tpu.memory_space<vmem>> -> memref<128x128xf32, #tpu.memory_space<vmem>>
    tpu.wait_dma2 semaphore(%arg16 : memref<!tpu.dma_semaphore, #tpu.memory_space<semaphore_mem>>) src(%dma_wait3A_38 : memref<128x128xf32, #tpu.memory_space<vmem>>) dst(%dma_wait3A_34 : memref<128x128xf32, #tpu.memory_space<hbm>>)
    %dma_wait3A_39 = arith.constant 2 : i32
    %dma_wait3A_40 = arith.constant 0 : i32
    %dma_wait3A_41 = arith.constant 0 : i32
    %dma_wait3A_42 = tpu.memref_slice %arg6[%dma_wait3A_39, %dma_wait3A_40, %dma_wait3A_41] : memref<7x128x128xf32, #tpu.memory_space<vmem>> -> memref<1x128x128xf32, #tpu.memory_space<vmem>>
    %dma_wait3A_43 = tpu.memref_squeeze %dma_wait3A_42 : memref<1x128x128xf32, #tpu.memory_space<vmem>> -> memref<128x128xf32, #tpu.memory_space<vmem>>
    %dma_wait3A_44 = arith.constant 0 : i32
    %dma_wait3A_45 = arith.constant 0 : i32
    %dma_wait3A_46 = tpu.memref_slice %arg4[%dma_wait3A_44, %dma_wait3A_45] : memref<204800x128xf32, #tpu.memory_space<hbm>> -> memref<128x128xf32, #tpu.memory_space<hbm>>
    %dma_wait3A_47 = arith.constant 0 : i32
    %dma_wait3A_48 = arith.constant 0 : i32
    %dma_wait3A_49 = tpu.memref_slice %arg4[%dma_wait3A_47, %dma_wait3A_48] : memref<204800x128xf32, #tpu.memory_space<hbm>> -> memref<128x128xf32, #tpu.memory_space<hbm>>
    %dma_wait3A_50 = arith.constant 0 : i32
    %dma_wait3A_51 = arith.constant 0 : i32
    %dma_wait3A_52 = tpu.memref_slice %arg6[%dma_wait3A_39, %dma_wait3A_50, %dma_wait3A_51] : memref<7x128x128xf32, #tpu.memory_space<vmem>> -> memref<1x128x128xf32, #tpu.memory_space<vmem>>
    %dma_wait3A_53 = tpu.memref_squeeze %dma_wait3A_52 : memref<1x128x128xf32, #tpu.memory_space<vmem>> -> memref<128x128xf32, #tpu.memory_space<vmem>>
    tpu.wait_dma2 semaphore(%arg17 : memref<!tpu.dma_semaphore, #tpu.memory_space<semaphore_mem>>) src(%dma_wait3A_53 : memref<128x128xf32, #tpu.memory_space<vmem>>) dst(%dma_wait3A_49 : memref<128x128xf32, #tpu.memory_space<hbm>>)
    %dma_wait3A_54 = arith.constant 3 : i32
    %dma_wait3A_55 = arith.constant 0 : i32
    %dma_wait3A_56 = arith.constant 0 : i32
    %dma_wait3A_57 = tpu.memref_slice %arg6[%dma_wait3A_54, %dma_wait3A_55, %dma_wait3A_56] : memref<7x128x128xf32, #tpu.memory_space<vmem>> -> memref<1x128x128xf32, #tpu.memory_space<vmem>>
    %dma_wait3A_58 = tpu.memref_squeeze %dma_wait3A_57 : memref<1x128x128xf32, #tpu.memory_space<vmem>> -> memref<128x128xf32, #tpu.memory_space<vmem>>
    %dma_wait3A_59 = arith.constant 0 : i32
    %dma_wait3A_60 = arith.constant 0 : i32
    %dma_wait3A_61 = tpu.memref_slice %arg4[%dma_wait3A_59, %dma_wait3A_60] : memref<204800x128xf32, #tpu.memory_space<hbm>> -> memref<128x128xf32, #tpu.memory_space<hbm>>
    %dma_wait3A_62 = arith.constant 0 : i32
    %dma_wait3A_63 = arith.constant 0 : i32
    %dma_wait3A_64 = tpu.memref_slice %arg4[%dma_wait3A_62, %dma_wait3A_63] : memref<204800x128xf32, #tpu.memory_space<hbm>> -> memref<128x128xf32, #tpu.memory_space<hbm>>
    %dma_wait3A_65 = arith.constant 0 : i32
    %dma_wait3A_66 = arith.constant 0 : i32
    %dma_wait3A_67 = tpu.memref_slice %arg6[%dma_wait3A_54, %dma_wait3A_65, %dma_wait3A_66] : memref<7x128x128xf32, #tpu.memory_space<vmem>> -> memref<1x128x128xf32, #tpu.memory_space<vmem>>
    %dma_wait3A_68 = tpu.memref_squeeze %dma_wait3A_67 : memref<1x128x128xf32, #tpu.memory_space<vmem>> -> memref<128x128xf32, #tpu.memory_space<vmem>>
    tpu.wait_dma2 semaphore(%arg18 : memref<!tpu.dma_semaphore, #tpu.memory_space<semaphore_mem>>) src(%dma_wait3A_68 : memref<128x128xf32, #tpu.memory_space<vmem>>) dst(%dma_wait3A_64 : memref<128x128xf32, #tpu.memory_space<hbm>>)
    %dma_wait3A_69 = arith.constant 4 : i32
    %dma_wait3A_70 = arith.constant 0 : i32
    %dma_wait3A_71 = arith.constant 0 : i32
    %dma_wait3A_72 = tpu.memref_slice %arg6[%dma_wait3A_69, %dma_wait3A_70, %dma_wait3A_71] : memref<7x128x128xf32, #tpu.memory_space<vmem>> -> memref<1x128x128xf32, #tpu.memory_space<vmem>>
    %dma_wait3A_73 = tpu.memref_squeeze %dma_wait3A_72 : memref<1x128x128xf32, #tpu.memory_space<vmem>> -> memref<128x128xf32, #tpu.memory_space<vmem>>
    %dma_wait3A_74 = arith.constant 0 : i32
    %dma_wait3A_75 = arith.constant 0 : i32
    %dma_wait3A_76 = tpu.memref_slice %arg4[%dma_wait3A_74, %dma_wait3A_75] : memref<204800x128xf32, #tpu.memory_space<hbm>> -> memref<128x128xf32, #tpu.memory_space<hbm>>
    %dma_wait3A_77 = arith.constant 0 : i32
    %dma_wait3A_78 = arith.constant 0 : i32
    %dma_wait3A_79 = tpu.memref_slice %arg4[%dma_wait3A_77, %dma_wait3A_78] : memref<204800x128xf32, #tpu.memory_space<hbm>> -> memref<128x128xf32, #tpu.memory_space<hbm>>
    %dma_wait3A_80 = arith.constant 0 : i32
    %dma_wait3A_81 = arith.constant 0 : i32
    %dma_wait3A_82 = tpu.memref_slice %arg6[%dma_wait3A_69, %dma_wait3A_80, %dma_wait3A_81] : memref<7x128x128xf32, #tpu.memory_space<vmem>> -> memref<1x128x128xf32, #tpu.memory_space<vmem>>
    %dma_wait3A_83 = tpu.memref_squeeze %dma_wait3A_82 : memref<1x128x128xf32, #tpu.memory_space<vmem>> -> memref<128x128xf32, #tpu.memory_space<vmem>>
    tpu.wait_dma2 semaphore(%arg19 : memref<!tpu.dma_semaphore, #tpu.memory_space<semaphore_mem>>) src(%dma_wait3A_83 : memref<128x128xf32, #tpu.memory_space<vmem>>) dst(%dma_wait3A_79 : memref<128x128xf32, #tpu.memory_space<hbm>>)
    %dma_wait3A_84 = arith.constant 5 : i32
    %dma_wait3A_85 = arith.constant 0 : i32
    %dma_wait3A_86 = arith.constant 0 : i32
    %dma_wait3A_87 = tpu.memref_slice %arg6[%dma_wait3A_84, %dma_wait3A_85, %dma_wait3A_86] : memref<7x128x128xf32, #tpu.memory_space<vmem>> -> memref<1x128x128xf32, #tpu.memory_space<vmem>>
    %dma_wait3A_88 = tpu.memref_squeeze %dma_wait3A_87 : memref<1x128x128xf32, #tpu.memory_space<vmem>> -> memref<128x128xf32, #tpu.memory_space<vmem>>
    %dma_wait3A_89 = arith.constant 0 : i32
    %dma_wait3A_90 = arith.constant 0 : i32
    %dma_wait3A_91 = tpu.memref_slice %arg4[%dma_wait3A_89, %dma_wait3A_90] : memref<204800x128xf32, #tpu.memory_space<hbm>> -> memref<128x128xf32, #tpu.memory_space<hbm>>
    %dma_wait3A_92 = arith.constant 0 : i32
    %dma_wait3A_93 = arith.constant 0 : i32
    %dma_wait3A_94 = tpu.memref_slice %arg4[%dma_wait3A_92, %dma_wait3A_93] : memref<204800x128xf32, #tpu.memory_space<hbm>> -> memref<128x128xf32, #tpu.memory_space<hbm>>
    %dma_wait3A_95 = arith.constant 0 : i32
    %dma_wait3A_96 = arith.constant 0 : i32
    %dma_wait3A_97 = tpu.memref_slice %arg6[%dma_wait3A_84, %dma_wait3A_95, %dma_wait3A_96] : memref<7x128x128xf32, #tpu.memory_space<vmem>> -> memref<1x128x128xf32, #tpu.memory_space<vmem>>
    %dma_wait3A_98 = tpu.memref_squeeze %dma_wait3A_97 : memref<1x128x128xf32, #tpu.memory_space<vmem>> -> memref<128x128xf32, #tpu.memory_space<vmem>>
    tpu.wait_dma2 semaphore(%arg20 : memref<!tpu.dma_semaphore, #tpu.memory_space<semaphore_mem>>) src(%dma_wait3A_98 : memref<128x128xf32, #tpu.memory_space<vmem>>) dst(%dma_wait3A_94 : memref<128x128xf32, #tpu.memory_space<hbm>>)
    %dma_wait3A_99 = arith.constant 6 : i32
    %dma_wait3A_100 = arith.constant 0 : i32
    %dma_wait3A_101 = arith.constant 0 : i32
    %dma_wait3A_102 = tpu.memref_slice %arg6[%dma_wait3A_99, %dma_wait3A_100, %dma_wait3A_101] : memref<7x128x128xf32, #tpu.memory_space<vmem>> -> memref<1x128x128xf32, #tpu.memory_space<vmem>>
    %dma_wait3A_103 = tpu.memref_squeeze %dma_wait3A_102 : memref<1x128x128xf32, #tpu.memory_space<vmem>> -> memref<128x128xf32, #tpu.memory_space<vmem>>
    %dma_wait3A_104 = arith.constant 0 : i32
    %dma_wait3A_105 = arith.constant 0 : i32
    %dma_wait3A_106 = tpu.memref_slice %arg4[%dma_wait3A_104, %dma_wait3A_105] : memref<204800x128xf32, #tpu.memory_space<hbm>> -> memref<128x128xf32, #tpu.memory_space<hbm>>
    %dma_wait3A_107 = arith.constant 0 : i32
    %dma_wait3A_108 = arith.constant 0 : i32
    %dma_wait3A_109 = tpu.memref_slice %arg4[%dma_wait3A_107, %dma_wait3A_108] : memref<204800x128xf32, #tpu.memory_space<hbm>> -> memref<128x128xf32, #tpu.memory_space<hbm>>
    %dma_wait3A_110 = arith.constant 0 : i32
    %dma_wait3A_111 = arith.constant 0 : i32
    %dma_wait3A_112 = tpu.memref_slice %arg6[%dma_wait3A_99, %dma_wait3A_110, %dma_wait3A_111] : memref<7x128x128xf32, #tpu.memory_space<vmem>> -> memref<1x128x128xf32, #tpu.memory_space<vmem>>
    %dma_wait3A_113 = tpu.memref_squeeze %dma_wait3A_112 : memref<1x128x128xf32, #tpu.memory_space<vmem>> -> memref<128x128xf32, #tpu.memory_space<vmem>>
    tpu.wait_dma2 semaphore(%arg21 : memref<!tpu.dma_semaphore, #tpu.memory_space<semaphore_mem>>) src(%dma_wait3A_113 : memref<128x128xf32, #tpu.memory_space<vmem>>) dst(%dma_wait3A_109 : memref<128x128xf32, #tpu.memory_space<hbm>>)
    return
  }
}

</mosaic_0001>

<sc_bundles>
// kernel: _gather.3.cloned.1.call-start
scs
__scs_entry_jumppad:
0x0: {  	(pc) =	sbr.rel $0x88, $3  }
0x1: {  	(tag) =	ssettag $0x0;
	lr =	simm.s32 $0x1  }
0x2: {  	[smem:$0x3F9F] =	sst lr;
	_ =	strace $0xD0000000  }
0x3: {  	_ = 	snop  }
0x4: {  	_ = 	snop  }
0x5: {  	_ = 	snop  }
0x6: {  	_ = 	snop  }
0x7: {  	_ = 	snop  }
__scs_overlays_trampoline_lowered:
0x8: {  	[smem:$0x3FAE] =	sst s0  }
0x9: {  	[smem:$0x3FAF] =	sst s1  }
0xa: {  	[smem:$0x3FB0] =	sst s2  }
0xb: {  	[smem:$0x3FB1] =	sst s3  }
0xc: {  	[smem:$0x3FB2] =	sst s4  }
0xd: {  	[smem:$0x3FB3] =	sst s5  }
0xe: {  	[smem:$0x3FB4] =	sst s6  }
0xf: {  	[smem:$0x3FB5] =	sst s7  }
0x10: {  	[smem:$0x3FB6] =	sst s8  }
0x11: {  	[smem:$0x3FB7] =	sst s9;
	s0 =	simm.s32 @!p0 $0x0  }
0x12: {  	s1 =	sld [smem:$0x3F9D];
	s0 =	simm.s32 @p0 $0x1  }
0x13: {  	[smem:$0x3FB8] =	sst s0;
	s0 =	simm.s32 @!p1 $0x0  }
0x14: {  	s2 =	sld [smem:$0x3F9C];
	s0 =	simm.s32 @p1 $0x1  }
0x15: {  	[smem:$0x3FB9] =	sst s0;
	s0 =	simm.s32 @!p2 $0x0  }
0x16: {  	s3 =	sld [smem:$0x3FDB];
	s0 =	simm.s32 @p2 $0x1  }
0x17: {  	s4 =	simm.s32 $0x1BF5;
	[smem:$0x3FBB] =	sst s0  }
0x18: {  	s0 =	sld [smem:$0x3F9E];
	_ =	swait.ge [sflag:s4], $0x0  }
0x19: {  	s7 =	sld [smem:$0x3F9F]  }
0x1a: {  	s8 =	sadd.s32 $0xFFFFE003, lr  }
0x1b: {  	s9 =	sadd.s32 $0xFFFFFEF7, lr;
	s5 =	simm.s32 $0xFFFFFFFF;
	p2 =	slt.u32 s8, $0xFFFFF086  }
0x1c: {  	p1 =	slt.u32 s9, $0xF7A;
	s5 =	simm.s32 @!p2 $0x0  }
0x1d: {  	s5 =	simm.s32 @p1 $0x1;
	p0 =	seq.s32 s7, s2  }
0x1e: {  	s7 =	smul.u32 @!p0 $0xF7A, s2;
	p2 =	seq.s32 @!p0 s5, $0x0  }
0x1f: {  	s9 =	smul.u32 $0xF7A, s1;
	s8 =	simm.s32 @!p0 $0x1BF5;
	p2 =	por !p2, p0  }
0x20: {  	[sflag:s8] =	ssyncset.s32 @!p0 $0xFFFFF086;
	s6 =	sadd.s32 @!p0 s3, s7;
	s7 =	simm.s32 @!p0 $0x108  }
0x21: {  	s3 =	sadd.s32 s3, s9;
	s6 =	sadd.s32 @!p0 $0x88, s6;
	s7 =	simm.s32 @p2 $0x1082  }
0x22: {  	[simem:s7], [sflag:s8] =	dma.local @!p0 [hbm:s6], $0xF7A  }
0x23: {  	s9 =	sor.u32 $0xD0000000, s2;
	s6 =	simm.s32 $0x108;
	_ =	swait.ge @!p0 [sflag:s8], $0x0  }
0x24: {  	s3 =	sadd.s32 $0x88, s3;
	s6 =	simm.s32 @!p1 $0x1082;
	[sflag:s4] =	ssyncset.s32 $0xFFFFF086  }
0x25: {  	[simem:s6], [sflag:s4] =	dma.local [hbm:s3], $0xF7A  }
0x26: {  	[smem:$0x3F9F] =	sst s1;
	(tag) =	ssettag s2;
	_ =	strace s9  }
0x27: {  	s1 =	sld [smem:$0x3FAF]  }
0x28: {  	s2 =	sld [smem:$0x3FB0]  }
0x29: {  	s4 =	sld [smem:$0x3FB2]  }
0x2a: {  	p0 =	seq.s32 s5, $0x0;
	s5 =	sld [smem:$0x3FB3]  }
0x2b: {  	s6 =	sld [smem:$0x3FB4]  }
0x2c: {  	s7 =	sld [smem:$0x3FB5]  }
0x2d: {  	s3 =	simm.s32 $0x108;
	s8 =	sld [smem:$0x3FB6]  }
0x2e: {  	s3 =	simm.s32 @!p0 $0x1082;
	s9 =	sld [smem:$0x3FB7]  }
0x2f: {  	lr =	sadd.s32 s0, s3;
	s0 =	sld [smem:$0x3FAE]  }
0x30: {  	s3 =	sld [smem:$0x3FB1]  }
0x31: {  	[smem:$0x3FBA] =	sst s10  }
0x32: {  	s10 =	sld [smem:$0x3FB8];
	_ =	sdelay $0x3  }
0x33: {  	p0 =	seq.s32 s10, $0x1;
	s10 =	sld [smem:$0x3FBA];
	_ =	sdelay $0x3  }
0x34: {  	[smem:$0x3FBA] =	sst s10  }
0x35: {  	s10 =	sld [smem:$0x3FB9];
	_ =	sdelay $0x3  }
0x36: {  	p1 =	seq.s32 s10, $0x1;
	s10 =	sld [smem:$0x3FBA];
	_ =	sdelay $0x3  }
0x37: {  	[smem:$0x3FBA] =	sst s10  }
0x38: {  	s10 =	sld [smem:$0x3FBB]  }
0x39: {  	_ = 	snop;
	(pc) =	sbr.ind lr, $3  }
0x3a: {  	_ = 	snop  }
0x3b: {  	_ = 	snop  }
0x3c: {  	p2 =	seq.s32 s10, $0x1;
	s10 =	sld [smem:$0x3FBA]  }
0x3d: {  	_ =	shalt  }
0x3e: {  	_ =	shalt  }
0x3f: {  	_ =	shalt  }
0x40: {  	_ =	shalt  }
0x41: {  	_ =	shalt  }
0x42: {  	_ =	shalt  }
0x43: {  	_ =	shalt  }
0x44: {  	_ =	shalt  }
0x45: {  	_ =	shalt  }
0x46: {  	_ =	shalt  }
0x47: {  	_ =	shalt  }
0x48: {  	_ =	shalt  }
0x49: {  	_ =	shalt  }
0x4a: {  	_ =	shalt  }
0x4b: {  	_ =	shalt  }
0x4c: {  	_ =	shalt  }
0x4d: {  	_ =	shalt  }
0x4e: {  	_ =	shalt  }
0x4f: {  	_ =	shalt  }
0x50: {  	_ =	shalt  }
0x51: {  	_ =	shalt  }
0x52: {  	_ =	shalt  }
0x53: {  	_ =	shalt  }
0x54: {  	_ =	shalt  }
0x55: {  	_ =	shalt  }
0x56: {  	_ =	shalt  }
0x57: {  	_ =	shalt  }
0x58: {  	_ =	shalt  }
0x59: {  	_ =	shalt  }
0x5a: {  	_ =	shalt  }
0x5b: {  	_ =	shalt  }
0x5c: {  	_ =	shalt  }
0x5d: {  	_ =	shalt  }
0x5e: {  	_ =	shalt  }
0x5f: {  	_ =	shalt  }
0x60: {  	_ =	shalt  }
0x61: {  	_ =	shalt  }
0x62: {  	_ =	shalt  }
0x63: {  	_ =	shalt  }
0x64: {  	_ =	shalt  }
0x65: {  	_ =	shalt  }
0x66: {  	_ =	shalt  }
0x67: {  	_ =	shalt  }
0x68: {  	_ =	shalt  }
0x69: {  	_ =	shalt  }
0x6a: {  	_ =	shalt  }
0x6b: {  	_ =	shalt  }
0x6c: {  	_ =	shalt  }
0x6d: {  	_ =	shalt  }
0x6e: {  	_ =	shalt  }
0x6f: {  	_ =	shalt  }
0x70: {  	_ =	shalt  }
0x71: {  	_ =	shalt  }
0x72: {  	_ =	shalt  }
0x73: {  	_ =	shalt  }
0x74: {  	_ =	shalt  }
0x75: {  	_ =	shalt  }
0x76: {  	_ =	shalt  }
0x77: {  	_ =	shalt  }
0x78: {  	_ =	shalt  }
0x79: {  	_ =	shalt  }
0x7a: {  	_ =	shalt  }
0x7b: {  	_ =	shalt  }
0x7c: {  	_ =	shalt  }
0x7d: {  	_ =	shalt  }
0x7e: {  	_ =	shalt  }
0x7f: {  	_ =	shalt  }
0x80: {  	_ =	shalt  }
0x81: {  	_ =	shalt  }
0x82: {  	_ =	shalt  }
0x83: {  	_ =	shalt  }
0x84: {  	_ =	shalt  }
0x85: {  	_ =	shalt  }
0x86: {  	_ =	shalt  }
0x87: {  	_ =	shalt  }
.Lfunc_end0:
.L_simem_size_0:
called_computation_lowered:
.L_overlay_start_0:
0x88: {  	s2 =	sld [smem:$0x3FD9]  }
0x89: {  	s3 =	sld [smem:$0x3FFE];
	_ =	sdelay $0x1  }
0x8a: {  	s1 =	srdreg.scid  }
0x8b: {  	s0 =	sand.u32 $0x1, s1  }
0x8c: {  	s17 =	sshll.u32 s0, $0xA;
	s2 =	sadd.s32 s3, s2  }
0x8d: {  	s2 =	sadd.s32 s2, s17  }
0x8e: {  	[smem:$0x3FC6] =	sst s2  }
0x8f: {  	_ = 	snop  }
0x90: {  	s2 =	sld [smem:$0x3FC9]  }
0x91: {  	s18 =	sld [smem:$0x3FD0];
	(tm) =	ssettm $0x1  }
0x92: {  	s4 =	sld [smem:$0x3FFB];
	_ =	sdelay $0x3  }
0x93: {  	_ =	strace s4  }
0x94: {  	s4 =	sld [smem:$0x3FFC];
	_ =	sdelay $0x3  }
0x95: {  	_ =	strace s4  }
0x96: {  	s4 =	sld [smem:$0x3FFD];
	_ =	sdelay $0x3  }
0x97: {  	_ =	strace s4  }
0x98: {  	_ =	strace $0x8FFFFFFF  }
0x99: {  	s19 =	sld [smem:$0x3FDB];
	_ =	sdelay $0x1  }
0x9a: {  	s5 =	simm.s32 $_scs_section_size  }
0x9b: {  	s6 =	simm.s32 $_size__tile_overlayer_lowered;
	s7 =	simm.s32 $_tile_overlayer_lowered  }
0x9c: {  	s22 =	simm.s32 $0x1BFF;
	s21 =	sshll.u32 s7, $0x1;
	s4 =	sadd.s32 s5, s19  }
0x9d: {  	s8 =	simm.s32 $0x0;
	s20 =	sshll.u32 s6, $0x1;
	s6 =	sadd.s32 s21, s4  }
0x9e: {  	[timem:s8], [sflag:s22] =	dma.local [hbm:s6], s20  }
0x9f: {  	_ =	swait.ge [sflag:s22], s20  }
0xa0: {  	s5 =	ssub.s32 $0x0, s20;
	[sflag:s22] =	ssyncset.done $0x0  }
0xa1: {  	[sflag:s22] =	ssyncadd.s32 s5;
	_ =	sdelay $0x1  }
0xa2: {  	s23 =	simm.s32 $0x1B8B  }
0xa3: {  	_ =	swait.ge [sflag:s23], $0x1  }
0xa4: {  	[sflag:s23] =	ssyncset.done $0x0  }
0xa5: {  	s25 =	simm.s32 $0x1B8E;
	s24 =	sld [smem:$0x3FFE];
	[sflag:s23] =	ssyncadd.s32 $0xFFFFFFFF  }
0xa6: {  	s26 =	simm.s32 $execute0_lowered;
	[smem:$0x3FD2] =	sst s25  }
0xa7: {  	s6 =	sshll.u32 s26, $0x1;
	_ =	strace $0x80000046;
	[dreg:$0x1] =	wrdreg $0xFFFFFFFF  }
0xa8: {  	s28 =	simm.s32 $_size_execute0_lowered;
	s4 =	sadd.s32 s4, s6;
	[dreg:$0x0] =	wrdreg $0x0  }
0xa9: {  	s6 =	sshll.u32 s28, $0x1;
	[dreg:$0x2] =	wrdreg s4  }
0xaa: {  	[dreg:$0x3] =	wrdreg s6  }
0xab: {  	[dreg:$0x4] =	wrdreg $0xC0  }
0xac: {  	_ =	task [dreg:s8], $0x5FFFF  }
0xad: {  	[dreg:$0x1] =	wrdreg $0xFFFFFFFF  }
0xae: {  	[dreg:$0x0] =	wrdreg $0x60  }
0xaf: {  	[dreg:$0x2] =	wrdreg s2  }
0xb0: {  	[dreg:$0x3] =	wrdreg s24  }
0xb1: {  	[dreg:$0x4] =	wrdreg s18  }
0xb2: {  	[dreg:$0x5] =	wrdreg $0x1DC000  }
0xb3: {  	[dreg:$0x6] =	wrdreg $0x9  }
0xb4: {  	_ =	task.clear_ibuf [dreg:s8], $0x7FFFF;
	_ =	strace $0x90000046  }
0xb5: {  	s29 =	simm.s32 $0x9;
	_ =	strace $0x80000048  }
0xb6: {  	_ =	swait.ge [sflag:s29], $0x1  }
0xb7: {  	[sflag:s29] =	ssyncadd.s32 $0xFFFFFFFF  }
0xb8: {  	_ =	strace $0x90000048  }
0xb9: {  	_ =	sfence  }
0xba: {  	s30 =	sld [smem:$0x0];
	_ =	sdelay $0x2  }
0xbb: {  	s31 =	sshll.u32 s1, $0xD;
	s1 =	sshrl.u32 s1, $0x2  }
0xbc: {  	s3 =	sand.u32 $0x4000, s31;
	s1 =	sadd.s32 s1, s30  }
0xbd: {  	s0 =	sor.u32 s3, s0;
	s1 =	sshll.u32 s1, $0x11  }
0xbe: {  	s0 =	sor.u32 s1, s0  }
0xbf: {  	s0 =	sadd.s32 $0x8F2B, s0  }
0xc0: {  	[sflag:s0] =	ssyncadd.remote.s32 $0x1  }
0xc1: {  	_ =	sfence.sel $0xFFFF  }
0xc2: {  	[dreg:$0x0] =	wrdreg $0xFFFFFFFF;
	(pc) =	sbr.abs _section_cstart, $3  }
0xc3: {  	[dreg:$0x1] =	wrdreg $0xFFFFFFFF  }
0xc4: {  	_ =	task.clear_ibuf [dreg:s8], $0x2FFFF;
	_ =	strace $0x9FFFFFFF  }
0xc5: {  	(tm) =	ssettm $0x7FFFFFFF  }
tec
execute0_lowered:
.L_overlay_start_1:
0x0: {  	(tag) =	ssettag $0x1  }
0x1: {  	s0 =	rddreg [dreg:$0x0]  }
0x2: {  	s1 =	rddreg [dreg:$0x1];
	s3 =	srdreg.scid  }
0x3: {  	s6 =	stileid.u32;
	s2 =	rddreg [dreg:$0x2]  }
0x4: {  	s13 =	simm.s32 $0x1C00;
	s14 =	simm.s32 $0x1;
	s20 =	simm.s32 $0xD  }
0x5: {  	s21 =	simm.s32 $0xE;
	s28 =	simm.s32 $0xDC00;
	s29 =	simm.s32 $0x5  }
0x6: {  	s30 =	simm.s32 $0x11C00;
	s31 =	simm.s32 $0x6;
	s10 =	smul.u32 $0x190000, s6  }
0x7: {  	s7 =	sand.u32 $0x1, s3;
	s4 =	sshll.u32 s6, $0x1;
	s23 =	smul.u32 $0x32000, s6  }
0x8: {  	s3 =	rddreg [dreg:$0x3];
	p0 =	sne.s32 s6, $0x0;
	s12 =	smul.u32 $0xC8000, s7  }
0x9: {  	s5 =	sor.u32 s7, s4;
	s9 =	ssub.s32 $0x2, s7;
	s7 =	smul.u32 $0x19000, s7  }
0xa: {  	s6 =	simm.s32 $0x7;
	s4 =	simm.s32 $0x0;
	s8 =	smul.u32 $0x380, s5  }
0xb: {  	[smem:$0x7FF] =	sst s4;
	s11 =	sshrl.u32 s9, $0x1;
	s5 =	smul.u32 $0xC8000, s5  }
0xc: {  	_ =	strace $0x80000047;
	s22 =	ssub.s32 s9, s11;
	s24 =	sadd.s32 s12, s10  }
0xd: {  	s12 =	simm.s32 $0x80;
	s10 =	simm.s32 $0x0;
	s1 =	sadd.s32 s8, s1  }
0xe: {  	s8 =	smax.u32 s22, $0x1;
	s25 =	sor.u32 $0x4000, s24;
	s22 =	simm.s32 $0x2  }
0xf: {  	s24 =	simm.s32 $0x3;
	s1 =	sadd.s32 $0x400, s1;
	[dreg:$0x6] =	wrdreg s8  }
.Ltmp0:
0x10: {  	s8 =	sshrl.u32 s25, $0x3;
	s25 =	simm.s32 $0x9C00;
	(pc) =	sbr.rel .LBB2_1-.Ltmp0, $4  }
0x11: {  	[dreg:$0x5] =	wrdreg s1;
	s1 =	sadd.s32 s23, s2;
	s26 =	sadd.s32 s8, s2  }
0x12: {  	s23 =	simm.s32 $0x5C00;
	s1 =	sadd.s32 s7, s1;
	[dreg:$0x8] =	wrdreg s26  }
0x13: {  	s26 =	simm.s32 $0x4;
	[dreg:$0x7] =	wrdreg s1;
	s1 =	sshrl.u32 @!p0 s3, $0x3  }
0x14: {  	s7 =	simm.s32 $0x19C00;
	[dreg:$0x9] =	wrdreg s1;
	s1 =	simm.s32 $0x15C00  }
.LBB2_4:
0x15: {  	s8 =	simm.s32 $0x8  }
0x16: {  	_ =	swait.ge [sflag:s8], $0x4000  }
0x17: {  	[sflag:s8] =	ssyncset.done $0x0  }
0x18: {  	s15 =	simm.s32 $0x9;
	[sflag:s8] =	ssyncadd.s32 $0xFFFFC000  }
0x19: {  	_ =	swait.ge [sflag:s15], $0x4000  }
0x1a: {  	[sflag:s15] =	ssyncset.done $0x0  }
0x1b: {  	s16 =	simm.s32 $0xA;
	[sflag:s15] =	ssyncadd.s32 $0xFFFFC000  }
0x1c: {  	_ =	swait.ge [sflag:s16], $0x4000  }
0x1d: {  	[sflag:s16] =	ssyncset.done $0x0  }
0x1e: {  	s17 =	simm.s32 $0xB;
	[sflag:s16] =	ssyncadd.s32 $0xFFFFC000  }
0x1f: {  	_ =	swait.ge [sflag:s17], $0x4000  }
0x20: {  	[sflag:s17] =	ssyncset.done $0x0  }
0x21: {  	s18 =	simm.s32 $0xC;
	[sflag:s17] =	ssyncadd.s32 $0xFFFFC000  }
0x22: {  	_ =	swait.ge [sflag:s18], $0x4000  }
0x23: {  	[sflag:s18] =	ssyncset.done $0x0  }
0x24: {  	[sflag:s18] =	ssyncadd.s32 $0xFFFFC000  }
0x25: {  	_ =	swait.ge [sflag:s20], $0x4000  }
0x26: {  	[sflag:s20] =	ssyncset.done $0x0  }
0x27: {  	[sflag:s20] =	ssyncadd.s32 $0xFFFFC000  }
0x28: {  	_ =	swait.ge [sflag:s21], $0x4000  }
0x29: {  	s10 =	sadd.s32 $0x1, s10;
	s19 =	rddreg [dreg:$0x6]  }
0x2a: {  	p1 =	sne.s32 s10, s19  }
.Ltmp1:
0x2b: {  	_ = 	snop;
	(pc) =	sbr.rel @!p1 .LBB2_5-.Ltmp1, $3  }
0x2c: {  	_ =	sdelay $0x1  }
0x2d: {  	[sflag:s21] =	ssyncset.done $0x0  }
0x2e: {  	[sflag:s21] =	ssyncadd.s32 $0xFFFFC000  }
.LBB2_1:
0x2f: {  	s8 =	simm.s32 @!p0 $0x1C0F;
	s9 =	rddreg [dreg:$0x9]  }
0x30: {  	[spmem:s9], [sflag:s8] =	dma.local @!p0 [hbm:s0], $0x3EA0  }
0x31: {  	s8 =	simm.s32 @!p0 $0xF  }
0x32: {  	_ =	swait.ge @!p0 [sflag:s8], $0x3EA0  }
0x33: {  	[sflag:s8] =	ssyncset.done @!p0 $0x0  }
0x34: {  	s19 =	simm.s32 $0xF;
	s18 =	rddreg [dreg:$0x5];
	[sflag:s8] =	ssyncadd.s32 @!p0 $0xFFFFC160  }
0x35: {  	[tilespmem:s4], [sflag:$0xF] =	stream.linear.gather [hbm4b:s18+s4], $0x1900, $0x38;
	[tilespmem:$0x1FB50] =	vst v63  }
0x36: {  	_ =	swait.ge [sflag:s19], $0x1900  }
0x37: {  	[sflag:s19] =	ssyncset.done $0x0  }
0x38: {  	[sflag:s19] =	ssyncadd.s32 $0xFFFFE700  }
0x39: {  	[bflag:$0x0] =	sbarrier.arrive $0xFFFF  }
0x3a: {  	s15 =	simm.s32 $0x0;
	s11 =	rddreg [dreg:$0x8]  }
0x3b: {  	s9 =	simm.s32 $0x18000;
	s8 =	simm.s32 $0xFFFFFFF9;
	s16 =	rddreg [dreg:$0x7]  }
.LBB2_2:
0x3c: {  	p1 =	sgt.u32 s8, $0x2A  }
0x3d: {  	s17 =	simm.s32 @!p1 $0x8  }
0x3e: {  	_ =	swait.ge @!p1 [sflag:s17], $0x4000  }
0x3f: {  	s19 =	sadd.s32 $0x1, s8;
	[sflag:s17] =	ssyncset.done @!p1 $0x0  }
0x40: {  	[sflag:s17] =	ssyncadd.s32 @!p1 $0xFFFFC000;
	p1 =	sgt.u32 s19, $0x2A  }
0x41: {  	[tilespmem:s13], [sflag:$0x1] =	stream.indirect.gather [spmem:s3], $0x80, s15, s12, $0xb8;
	[tilespmem:$0x1FB50] =	vst v63  }
0x42: {  	s17 =	simm.s32 @!p1 $0x9  }
0x43: {  	_ =	swait.ge @!p1 [sflag:s17], $0x4000  }
0x44: {  	[sflag:s17] =	ssyncset.done @!p1 $0x0  }
0x45: {  	[sflag:s17] =	ssyncadd.s32 @!p1 $0xFFFFC000;
	p1 =	seq.s32 s8, $0x2A  }
0x46: {  	s17 =	sadd.s32 @!p1 $0x80, s15;
	s18 =	simm.s32 @!p1 $0x80;
	s19 =	simm.s32 @!p1 $0x5C00  }
0x47: {  	[tilespmem:s19], [sflag:$0x2] =	stream.indirect.gather @!p1 [spmem:s3], $0x80, s17, s18, $0xb8;
	[tilespmem:$0x1FB50] =	vst v63  }
0x48: {  	s17 =	sadd.s32 @!p1 $0x2, s8  }
0x49: {  	p2 =	sgt.u32 @!p1 s17, $0x2A  }
0x4a: {  	p2 =	por p2, p1  }
0x4b: {  	s17 =	simm.s32 @!p2 $0xA  }
0x4c: {  	_ =	swait.ge @!p2 [sflag:s17], $0x4000  }
0x4d: {  	[sflag:s17] =	ssyncset.done @!p2 $0x0  }
0x4e: {  	s19 =	simm.s32 @!p1 $0x9C00;
	[sflag:s17] =	ssyncadd.s32 @!p2 $0xFFFFC000;
	s17 =	sadd.s32 @!p1 $0x100, s15  }
0x4f: {  	[tilespmem:s19], [sflag:$0x3] =	stream.indirect.gather @!p1 [spmem:s3], $0x80, s17, s18, $0xb8;
	[tilespmem:$0x1FB50] =	vst v63  }
0x50: {  	s17 =	sadd.s32 @!p1 $0x3, s8  }
0x51: {  	p2 =	sgt.u32 @!p1 s17, $0x2A  }
0x52: {  	p2 =	por p2, p1  }
0x53: {  	s17 =	simm.s32 @!p2 $0xB  }
0x54: {  	_ =	swait.ge @!p2 [sflag:s17], $0x4000  }
0x55: {  	[sflag:s17] =	ssyncset.done @!p2 $0x0  }
0x56: {  	s19 =	simm.s32 @!p1 $0xDC00;
	[sflag:s17] =	ssyncadd.s32 @!p2 $0xFFFFC000;
	s17 =	sadd.s32 @!p1 $0x180, s15  }
0x57: {  	[tilespmem:s19], [sflag:$0x4] =	stream.indirect.gather @!p1 [spmem:s3], $0x80, s17, s18, $0xb8;
	[tilespmem:$0x1FB50] =	vst v63  }
0x58: {  	s17 =	sadd.s32 @!p1 $0x4, s8  }
0x59: {  	p2 =	sgt.u32 @!p1 s17, $0x2A  }
0x5a: {  	p2 =	por p2, p1  }
0x5b: {  	s17 =	simm.s32 @!p2 $0xC  }
0x5c: {  	_ =	swait.ge @!p2 [sflag:s17], $0x4000  }
0x5d: {  	[sflag:s17] =	ssyncset.done @!p2 $0x0  }
0x5e: {  	s19 =	simm.s32 @!p1 $0x11C00;
	[sflag:s17] =	ssyncadd.s32 @!p2 $0xFFFFC000;
	s17 =	sadd.s32 @!p1 $0x200, s15  }
0x5f: {  	[tilespmem:s19], [sflag:$0x5] =	stream.indirect.gather @!p1 [spmem:s3], $0x80, s17, s18, $0xb8;
	[tilespmem:$0x1FB50] =	vst v63  }
0x60: {  	s17 =	sadd.s32 @!p1 $0x5, s8  }
0x61: {  	p2 =	sgt.u32 @!p1 s17, $0x2A  }
0x62: {  	p2 =	por p2, p1  }
0x63: {  	s17 =	simm.s32 @!p2 $0xD  }
0x64: {  	_ =	swait.ge @!p2 [sflag:s17], $0x4000  }
0x65: {  	[sflag:s17] =	ssyncset.done @!p2 $0x0  }
0x66: {  	s19 =	simm.s32 @!p1 $0x15C00;
	[sflag:s17] =	ssyncadd.s32 @!p2 $0xFFFFC000;
	s17 =	sadd.s32 @!p1 $0x280, s15  }
0x67: {  	[tilespmem:s19], [sflag:$0x6] =	stream.indirect.gather @!p1 [hbm4b:s0+s18], $0x80, s17, s18, $0xb8;
	[tilespmem:$0x1FB50] =	vst v63  }
0x68: {  	s17 =	sadd.s32 @!p1 $0x6, s8  }
0x69: {  	p2 =	sgt.u32 @!p1 s17, $0x2A  }
0x6a: {  	p2 =	por p2, p1  }
0x6b: {  	s17 =	simm.s32 @!p2 $0xE  }
0x6c: {  	_ =	swait.ge @!p2 [sflag:s17], $0x4000  }
0x6d: {  	[sflag:s17] =	ssyncset.done @!p2 $0x0  }
0x6e: {  	s19 =	simm.s32 @!p1 $0x19C00;
	[sflag:s17] =	ssyncadd.s32 @!p2 $0xFFFFC000;
	s17 =	sadd.s32 @!p1 $0x300, s15  }
0x6f: {  	[tilespmem:s19], [sflag:$0x7] =	stream.indirect.gather @!p1 [hbm4b:s0+s18], $0x80, s17, s18, $0xb8;
	[tilespmem:$0x1FB50] =	vst v63  }
.Ltmp2:
0x70: {  	_ = 	snop;
	(pc) =	sbr.rel @p1 .LBB2_4-.Ltmp2, $4  }
0x71: {  	_ =	swait.ge [sflag:s14], $0x4000  }
0x72: {  	[sflag:s14] =	ssyncset.done $0x0  }
0x73: {  	[sflag:s14] =	ssyncadd.s32 $0xFFFFC000  }
0x74: {  	[hbm4b:s16+s4] =	stream.linear.scatter [tilespmem:s13], [sflag:$0x8], $0x4000, $0x38;
	[tilespmem:$0x1FB50] =	vst v63  }
0x75: {  	_ =	swait.ge [sflag:s22], $0x4000  }
0x76: {  	s17 =	sadd.s32 @!p1 $0xFFFF0000, s9;
	[sflag:s22] =	ssyncset.done $0x0  }
0x77: {  	s17 =	simm.s32 @p1 $0xCC000;
	[sflag:s22] =	ssyncadd.s32 $0xFFFFC000  }
0x78: {  	[hbm4b:s11+s4] =	stream.linear.scatter [tilespmem:s23], [sflag:$0x9], $0x4000, $0x38;
	[tilespmem:$0x1FB50] =	vst v63  }
0x79: {  	s17 =	sadd.s32 s5, s17;
	_ =	swait.ge [sflag:s24], $0x4000  }
0x7a: {  	s18 =	sadd.s32 @!p1 $0xFFFF4000, s9;
	s17 =	sshrl.u32 s17, $0x3;
	[sflag:s24] =	ssyncset.done $0x0  }
0x7b: {  	s18 =	simm.s32 @p1 $0xD0000;
	s17 =	sadd.s32 s2, s17;
	[sflag:s24] =	ssyncadd.s32 $0xFFFFC000  }
0x7c: {  	[hbm4b:s17+s4] =	stream.linear.scatter [tilespmem:s25], [sflag:$0xA], $0x4000, $0x38;
	[tilespmem:$0x1FB50] =	vst v63  }
0x7d: {  	s19 =	sadd.s32 s5, s18;
	_ =	swait.ge [sflag:s26], $0x4000  }
0x7e: {  	s18 =	sadd.s32 @!p1 $0xFFFF8000, s9;
	s17 =	sshrl.u32 s19, $0x3;
	[sflag:s26] =	ssyncset.done $0x0  }
0x7f: {  	s18 =	simm.s32 @p1 $0xD4000;
	s17 =	sadd.s32 s2, s17;
	[sflag:s26] =	ssyncadd.s32 $0xFFFFC000  }
0x80: {  	[hbm4b:s17+s4] =	stream.linear.scatter [tilespmem:s28], [sflag:$0xB], $0x4000, $0x38;
	[tilespmem:$0x1FB50] =	vst v63  }
0x81: {  	s19 =	sadd.s32 s5, s18;
	_ =	swait.ge [sflag:s29], $0x4000  }
0x82: {  	s18 =	sadd.s32 @!p1 $0xFFFFC000, s9;
	s17 =	sshrl.u32 s19, $0x3;
	[sflag:s29] =	ssyncset.done $0x0  }
0x83: {  	s18 =	simm.s32 @p1 $0xD8000;
	s17 =	sadd.s32 s2, s17;
	[sflag:s29] =	ssyncadd.s32 $0xFFFFC000  }
0x84: {  	[hbm4b:s17+s4] =	stream.linear.scatter [tilespmem:s30], [sflag:$0xC], $0x4000, $0x38;
	[tilespmem:$0x1FB50] =	vst v63  }
0x85: {  	s19 =	sadd.s32 s5, s18;
	_ =	swait.ge [sflag:s31], $0x4000  }
0x86: {  	s16 =	sadd.s32 $0x3800, s16;
	s17 =	sshrl.u32 s19, $0x3;
	[sflag:s31] =	ssyncset.done $0x0  }
0x87: {  	s18 =	smov.u32 s9;
	s17 =	sadd.s32 s2, s17;
	[sflag:s31] =	ssyncadd.s32 $0xFFFFC000  }
0x88: {  	[hbm4b:s17+s4] =	stream.linear.scatter [tilespmem:s1], [sflag:$0xD], $0x4000, $0x38;
	[tilespmem:$0x1FB50] =	vst v63  }
.Ltmp3:
0x89: {  	s15 =	sadd.s32 $0x380, s15;
	s18 =	simm.s32 @p1 $0xDC000;
	(pc) =	sbr.rel .LBB2_2-.Ltmp3, $4  }
0x8a: {  	s8 =	sadd.s32 $0x7, s8;
	s19 =	sadd.s32 s5, s18;
	_ =	swait.ge [sflag:s6], $0x4000  }
0x8b: {  	s11 =	sadd.s32 $0x3800, s11;
	s17 =	sshrl.u32 s19, $0x3;
	[sflag:s6] =	ssyncset.done $0x0  }
0x8c: {  	s9 =	sadd.s32 $0x1C000, s9;
	s17 =	sadd.s32 s2, s17;
	[sflag:s6] =	ssyncadd.s32 $0xFFFFC000  }
0x8d: {  	[hbm4b:s17+s4] =	stream.linear.scatter [tilespmem:s7], [sflag:$0xE], $0x4000, $0x38;
	[tilespmem:$0x1FB50] =	vst v63  }
.LBB2_5:
0x8e: {  	_ =	sfence.sel $0x180000  }
0x8f: {  	[bflag:$0x0] =	sbarrier.arrive $0xFFFF  }
0x90: {  	_ =	strace $0x90000047  }
0x91: {  	[bflag:$0x2] =	sbarrier.arrive $0xFFFF  }
0x92: {  	s0 =	rddreg [dreg:$0x4]  }
0x93: {  	s0 =	sadd.s32 @!p0 $0x100000, s0  }
0x94: {  	[sflag:s0] =	ssyncadd.tile.s32 @!p0 $0x1;
	_ =	shalt  }
.Lfunc_end2:
_tile_overlayer_lowered:
.L_overlay_start_2:
0x95: {  	(tag) =	ssettag $0x2  }
0x96: {  	s0 =	rddreg [dreg:$0x0];
	s2 =	stileid.u32  }
0x97: {  	s1 =	rddreg [dreg:$0x1];
	p0 =	sne.s32 s2, $0x0  }
0x98: {  	s3 =	rddreg [dreg:$0x2];
	[bflag:$0x3] =	sbarrier.arrive $0xFFFF;
	s2 =	simm.s32 @!p0 $0x1C0F  }
0x99: {  	[timem:s3], [sflag:s2] =	dma.local @!p0 [hbm:s0], s1  }
0x9a: {  	s0 =	simm.s32 @!p0 $0xF  }
0x9b: {  	_ =	swait.ge @!p0 [sflag:s0], s1  }
0x9c: {  	s1 =	ssub.s32 @!p0 $0x0, s1;
	[sflag:s0] =	ssyncset.done @!p0 $0x0  }
0x9d: {  	[sflag:s0] =	ssyncadd.s32 @!p0 s1  }
0x9e: {  	[bflag:$0x3] =	sbarrier.arrive $0xFFFF  }
0x9f: {  	_ =	shalt  }

</sc_bundles>
